<compile_context>
chip_gen: v7x
topology: tpu7x:2x2x1
jax: 0.10.2.dev20260603
libtpu: 0.0.44.dev20260713+nightly
codegen_flags: <defaults>
</compile_context>

<pallas_src>
import functools

import jax
import jax.numpy as jnp
from jax import lax
from jax.experimental import pallas as pl
from jax.experimental.pallas import tpu as pltpu
from jax.experimental.pallas import tpu_sc as plsc

N_NODES = 10000
N_PAD = 10240
N_EDGES = 320000
D_IN = 128
N_CLASSES = 64

NC = 2
NS = 16
EDGES_PER_TILE = N_EDGES // NS
CHUNK = 80
NCHUNKS = EDGES_PER_TILE // CHUNK
ROWS_PER_TILE = N_PAD // NS

_MESH = plsc.VectorSubcoreMesh(
    core_axis_name="c", subcore_axis_name="s", num_cores=NC, num_subcores=NS)

_SC_PARAMS = pltpu.CompilerParams(use_tc_tiling_on_sc=False)



@functools.partial(
    pl.kernel,
    out_type=jax.ShapeDtypeStruct((NC, N_PAD, 16), jnp.float32),
    mesh=_MESH,
    scratch_types=[
        pltpu.VMEM_SHARED((N_PAD, 16), jnp.float32),
        pltpu.VMEM((NCHUNKS, CHUNK), jnp.int32),
        pltpu.VMEM((CHUNK, 16), jnp.float32),
    ],
    compiler_params=_SC_PARAMS,
)
def _sc_degrees(edges_hbm, ones_hbm, zeros_hbm, out_hbm, hist_sp, idx_v, ones_v):
    c = lax.axis_index("c")
    s = lax.axis_index("s")
    rows = pl.ds(s * ROWS_PER_TILE, ROWS_PER_TILE)
    pltpu.sync_copy(zeros_hbm.at[rows], hist_sp.at[rows])
    pltpu.sync_copy(edges_hbm.at[c, s], idx_v)
    pltpu.sync_copy(ones_hbm, ones_v)
    plsc.subcore_barrier()

    def body(j, carry):
        pltpu.sync_copy(ones_v, hist_sp.at[idx_v.at[j]], add=True)
        return carry

    lax.fori_loop(0, NCHUNKS, body, 0)
    plsc.subcore_barrier()
    pltpu.sync_copy(hist_sp.at[rows], out_hbm.at[c, rows])


NBUF = 5


def _make_sc_spmm(dh):

    @functools.partial(
        pl.kernel,
        out_type=jax.ShapeDtypeStruct((NC, N_PAD, dh), jnp.float32),
        mesh=_MESH,
        scratch_types=[
            pltpu.VMEM_SHARED((N_PAD, dh), jnp.float32),
            pltpu.VMEM((NCHUNKS, CHUNK), jnp.int32),
            pltpu.VMEM((NCHUNKS, CHUNK), jnp.int32),
            [pltpu.VMEM((CHUNK, dh), jnp.float32)] * NBUF,
            [pltpu.SemaphoreType.DMA] * NBUF,
            [pltpu.SemaphoreType.DMA] * NBUF,
        ],
        compiler_params=_SC_PARAMS,
    )
    def _sc_spmm(u_hbm, src_hbm, dst_hbm, zeros_hbm, out_hbm,
                 agg_sp, src_v, dst_v, gbufs, gsems, ssems):
        c = lax.axis_index("c")
        s = lax.axis_index("s")
        rows = pl.ds(s * ROWS_PER_TILE, ROWS_PER_TILE)
        u_c = u_hbm.at[c]
        pltpu.sync_copy(zeros_hbm.at[rows], agg_sp.at[rows])
        pltpu.sync_copy(src_hbm.at[s], src_v)
        pltpu.sync_copy(dst_hbm.at[s], dst_v)
        plsc.subcore_barrier()

        def gather_start(j, b):
            pltpu.async_copy(u_c.at[src_v.at[j]], gbufs[b], gsems[b])

        def gather_wait(b):
            pltpu.make_async_copy(u_c.at[src_v.at[0]], gbufs[b], gsems[b]).wait()

        def scatter_start(j, b):
            pltpu.async_copy(gbufs[b], agg_sp.at[dst_v.at[j]], ssems[b], add=True)

        def scatter_wait(b):
            pltpu.make_async_copy(gbufs[b], agg_sp.at[pl.ds(0, CHUNK)],
                                  ssems[b]).wait()

        for b in range(NBUF - 1):
            gather_start(b, b)

        def body(g, carry):
            for b in range(NBUF):
                i = g * NBUF + b
                @pl.when(i >= 1)
                def _():
                    scatter_wait((b - 1) % NBUF)
                @pl.when(i < NCHUNKS - (NBUF - 1))
                def _():
                    gather_start(i + NBUF - 1, (b - 1) % NBUF)
                gather_wait(b)
                scatter_start(i, b)
            return carry

        lax.fori_loop(0, NCHUNKS // NBUF, body, 0)
        scatter_wait((NCHUNKS - 1) % NBUF)
        plsc.subcore_barrier()
        pltpu.sync_copy(agg_sp.at[rows], out_hbm.at[c, rows])

    return _sc_spmm


_sc_spmm_64 = _make_sc_spmm(64)
_sc_spmm_32 = _make_sc_spmm(32)



_BLK = 1024
_GRID = N_PAD // _BLK


def _norm_col(deg_ref):
    return lax.rsqrt(jnp.clip(deg_ref[:, :1], 1.0, None))


def _tc1_body(x_ref, w1_ref, dego_ref, out_ref):
    ns = _norm_col(dego_ref)
    u = jnp.dot(x_ref[...], w1_ref[...], preferred_element_type=jnp.float32) * ns
    out_ref[0] = u[:, :64]
    out_ref[1] = u[:, 64:]


def _tc2_body(agg_ref, degi_ref, dego_ref, w2_ref, b1_ref, out_ref):
    nd = _norm_col(degi_ref)
    ns = _norm_col(dego_ref)
    agg = jnp.concatenate([agg_ref[0], agg_ref[1]], axis=1)
    h = jax.nn.relu(agg * nd + b1_ref[...])
    u2 = jnp.dot(h, w2_ref[...], preferred_element_type=jnp.float32) * ns
    out_ref[0] = u2[:, :32]
    out_ref[1] = u2[:, 32:]


def _tc3_body(agg_ref, degi_ref, b2_ref, out_ref):
    nd = _norm_col(degi_ref)
    agg = jnp.concatenate([agg_ref[0], agg_ref[1]], axis=1)
    out_ref[...] = jax.nn.relu(agg * nd + b2_ref[...])


_tc1 = pl.pallas_call(
    _tc1_body,
    grid=(_GRID,),
    in_specs=[
        pl.BlockSpec((_BLK, D_IN), lambda i: (i, 0)),
        pl.BlockSpec((D_IN, D_IN), lambda i: (0, 0)),
        pl.BlockSpec((_BLK, 16), lambda i: (i, 0)),
    ],
    out_specs=pl.BlockSpec((NC, _BLK, 64), lambda i: (0, i, 0)),
    out_shape=jax.ShapeDtypeStruct((NC, N_PAD, 64), jnp.float32),
)

_tc2 = pl.pallas_call(
    _tc2_body,
    grid=(_GRID,),
    in_specs=[
        pl.BlockSpec((NC, _BLK, 64), lambda i: (0, i, 0)),
        pl.BlockSpec((_BLK, 16), lambda i: (i, 0)),
        pl.BlockSpec((_BLK, 16), lambda i: (i, 0)),
        pl.BlockSpec((D_IN, N_CLASSES), lambda i: (0, 0)),
        pl.BlockSpec((1, D_IN), lambda i: (0, 0)),
    ],
    out_specs=pl.BlockSpec((NC, _BLK, 32), lambda i: (0, i, 0)),
    out_shape=jax.ShapeDtypeStruct((NC, N_PAD, 32), jnp.float32),
)

_tc3 = pl.pallas_call(
    _tc3_body,
    grid=(_GRID,),
    in_specs=[
        pl.BlockSpec((NC, _BLK, 32), lambda i: (0, i, 0)),
        pl.BlockSpec((_BLK, 16), lambda i: (i, 0)),
        pl.BlockSpec((1, N_CLASSES), lambda i: (0, 0)),
    ],
    out_specs=pl.BlockSpec((_BLK, N_CLASSES), lambda i: (i, 0)),
    out_shape=jax.ShapeDtypeStruct((N_PAD, N_CLASSES), jnp.float32),
)



def kernel(x, edge_index, W1, b1, W2, b2):
    edge_index = edge_index.astype(jnp.int32)
    edges_r = edge_index.reshape(NC, NS, NCHUNKS, CHUNK)
    src_r = edges_r[0]
    dst_r = edges_r[1]

    x_pad = jnp.pad(x, ((0, N_PAD - N_NODES), (0, 0)))
    ones16 = jnp.ones((CHUNK, 16), jnp.float32)
    z16 = jnp.zeros((N_PAD, 16), jnp.float32)
    z64 = jnp.zeros((N_PAD, 64), jnp.float32)
    z32 = jnp.zeros((N_PAD, 32), jnp.float32)

    degs = _sc_degrees(edges_r, ones16, z16)
    deg_out = degs[0]
    deg_in = degs[1]

    u1 = _tc1(x_pad, W1, deg_out)
    agg1 = _sc_spmm_64(u1, src_r, dst_r, z64)
    u2 = _tc2(agg1, deg_in, deg_out, W2, b1.reshape(1, -1))
    agg2 = _sc_spmm_32(u2, src_r, dst_r, z32)
    out = _tc3(agg2, deg_in, b2.reshape(1, -1))
    return out[:N_NODES]

# --- scband reference (transcript-rebuilt; emitter-appended) ---
"""Pipeline reference for scband-data-parallel-stage-18141941859024 (READ-ONLY COPY).

The authoritative reference and input builder live on the scoring server;
editing this copy changes nothing except your own understanding.
"""

import jax, jax.numpy as jnp
import numpy as np

N_NODES = 10000
N_EDGES = 320000
D_IN = 128
N_CLASSES = 64


def _gcn_layer(x, src, dst, W, b):
    # DGL GraphConv with norm='both', allow_zero_in_degree=True:
    # h = D_in^{-1/2} A D_out^{-1/2} x W + b
    ones = jnp.ones((src.shape[0],), dtype=x.dtype)
    deg_out = jax.ops.segment_sum(ones, src, num_segments=N_NODES)
    deg_in = jax.ops.segment_sum(ones, dst, num_segments=N_NODES)
    norm_src = jax.lax.rsqrt(jnp.clip(deg_out, 1.0, None))
    norm_dst = jax.lax.rsqrt(jnp.clip(deg_in, 1.0, None))
    m = (x * norm_src[:, None])[src]              # gather source features
    agg = jax.ops.segment_sum(m, dst, num_segments=N_NODES)  # scatter-add to dst
    h = agg * norm_dst[:, None]
    return h @ W + b


def setup_inputs(seed: int = 0) -> dict:
    key = jax.random.key(seed)
    k1, k2, k3, k4, k5, k6 = jax.random.split(key, 6)
    x = jax.random.normal(k1, (N_NODES, D_IN), dtype=jnp.float32)
    edge_index = jax.random.randint(k2, (2, N_EDGES), 0, N_NODES)
    W1 = jax.random.normal(k3, (D_IN, D_IN), dtype=jnp.float32) * (1.0 / np.sqrt(D_IN))
    b1 = jnp.zeros((D_IN,), dtype=jnp.float32)
    W2 = jax.random.normal(k4, (D_IN, N_CLASSES), dtype=jnp.float32) * (1.0 / np.sqrt(D_IN))
    b2 = jnp.zeros((N_CLASSES,), dtype=jnp.float32)
    return {"x": x, "edge_index": edge_index, "W1": W1, "b1": b1, "W2": W2, "b2": b2}


def reference(x, edge_index, W1, b1, W2, b2):
    src = edge_index[0]
    dst = edge_index[1]
    # layer 1: GCNConv(n_hidden, n_hidden) with relu activation, then dropout (identity in eval)
    h = jax.nn.relu(_gcn_layer(x, src, dst, W1, b1))
    # layer 2 (final): GCNConv(n_hidden, n_classes) with relu activation, no dropout after
    out = jax.nn.relu(_gcn_layer(h, src, dst, W2, b2))
    return out

if __name__ == "__main__":
    import jax
    _d = setup_inputs()
    print(jax.jit(kernel)(*tuple(_d.values())))

</pallas_src>

<mosaic_0001>
#map = affine_map<(d0, d1) -> (0, 0, 0)>
#map1 = affine_map<(d0, d1) -> (0, 0)>
module attributes {stable_mosaic.version = 14 : i64} {
  func.func @_sc_spmm(%arg0: i32, %arg1: i32, %arg2: memref<2x10240x64xf32, #tpu.memory_space<hbm>>, %arg3: memref<16x250x80xi32, #tpu.memory_space<hbm>>, %arg4: memref<16x250x80xi32, #tpu.memory_space<hbm>>, %arg5: memref<10240x64xf32, #tpu.memory_space<hbm>>, %arg6: memref<2x10240x64xf32, #tpu.memory_space<hbm>>, %arg7: memref<10240x64xf32, #tpu.memory_space<vmem_shared>>, %arg8: memref<250x80xi32, #tpu.memory_space<vmem>>, %arg9: memref<250x80xi32, #tpu.memory_space<vmem>>, %arg10: memref<80x64xf32, #tpu.memory_space<vmem>>, %arg11: memref<80x64xf32, #tpu.memory_space<vmem>>, %arg12: memref<80x64xf32, #tpu.memory_space<vmem>>, %arg13: memref<80x64xf32, #tpu.memory_space<vmem>>, %arg14: memref<80x64xf32, #tpu.memory_space<vmem>>, %arg15: memref<!tpu.dma_semaphore, #tpu.memory_space<semaphore_mem>>, %arg16: memref<!tpu.dma_semaphore, #tpu.memory_space<semaphore_mem>>, %arg17: memref<!tpu.dma_semaphore, #tpu.memory_space<semaphore_mem>>, %arg18: memref<!tpu.dma_semaphore, #tpu.memory_space<semaphore_mem>>, %arg19: memref<!tpu.dma_semaphore, #tpu.memory_space<semaphore_mem>>, %arg20: memref<!tpu.dma_semaphore, #tpu.memory_space<semaphore_mem>>, %arg21: memref<!tpu.dma_semaphore, #tpu.memory_space<semaphore_mem>>, %arg22: memref<!tpu.dma_semaphore, #tpu.memory_space<semaphore_mem>>, %arg23: memref<!tpu.dma_semaphore, #tpu.memory_space<semaphore_mem>>, %arg24: memref<!tpu.dma_semaphore, #tpu.memory_space<semaphore_mem>>) attributes {dimension_semantics = [#tpu.dimension_semantics<core_parallel>, #tpu.dimension_semantics<subcore_parallel>], iteration_bounds = array<i64: 2, 16>, scalar_prefetch = 0 : i64, scratch_operands = 18 : i64, tpu.core_type = #tpu.core_type<sc_vector_subcore>, window_params = [{transform_indices = #map}, {transform_indices = #map}, {transform_indices = #map}, {transform_indices = #map1}, {transform_indices = #map}]} {
    %mul3A = arith.constant 640 : i32
    %mul3A_0 = arith.muli %arg1, %mul3A : i32
    "tpu.region"() ({
      %run_scoped3A = tpu.sem_alloc : memref<!tpu.dma_semaphore, #tpu.memory_space<semaphore_mem>>
      %dma_start3A_55 = arith.constant 0 : i32
      %dma_start3A_56 = tpu.memref_slice %arg7[%mul3A_0, %dma_start3A_55] : memref<10240x64xf32, #tpu.memory_space<vmem_shared>> -> memref<640x64xf32, #tpu.memory_space<vmem_shared>>
      %dma_start3A_57 = arith.constant 0 : i32
      %dma_start3A_58 = tpu.memref_slice %arg5[%mul3A_0, %dma_start3A_57] : memref<10240x64xf32, #tpu.memory_space<hbm>> -> memref<640x64xf32, #tpu.memory_space<hbm>>
      tpu.enqueue_dma source(%dma_start3A_58 : memref<640x64xf32, #tpu.memory_space<hbm>>) target(%dma_start3A_56 : memref<640x64xf32, #tpu.memory_space<vmem_shared>>) target_semaphore(%run_scoped3A : memref<!tpu.dma_semaphore, #tpu.memory_space<semaphore_mem>>)
      %dma_wait3A_59 = arith.constant 0 : i32
      %dma_wait3A_60 = tpu.memref_slice %arg7[%mul3A_0, %dma_wait3A_59] : memref<10240x64xf32, #tpu.memory_space<vmem_shared>> -> memref<640x64xf32, #tpu.memory_space<vmem_shared>>
      %dma_wait3A_61 = arith.constant 0 : i32
      %dma_wait3A_62 = tpu.memref_slice %arg5[%mul3A_0, %dma_wait3A_61] : memref<10240x64xf32, #tpu.memory_space<hbm>> -> memref<640x64xf32, #tpu.memory_space<hbm>>
      tpu.wait_dma2 semaphore(%run_scoped3A : memref<!tpu.dma_semaphore, #tpu.memory_space<semaphore_mem>>) src(%dma_wait3A_62 : memref<640x64xf32, #tpu.memory_space<hbm>>) dst(%dma_wait3A_60 : memref<640x64xf32, #tpu.memory_space<vmem_shared>>)
      tpu.yield
    }) : () -> ()
    "tpu.region"() ({
      %run_scoped3A = tpu.sem_alloc : memref<!tpu.dma_semaphore, #tpu.memory_space<semaphore_mem>>
      %dma_start3A_55 = arith.constant 0 : i32
      %dma_start3A_56 = arith.constant 0 : i32
      %dma_start3A_57 = tpu.memref_slice %arg3[%arg1, %dma_start3A_55, %dma_start3A_56] : memref<16x250x80xi32, #tpu.memory_space<hbm>> -> memref<1x250x80xi32, #tpu.memory_space<hbm>>
      %dma_start3A_58 = tpu.memref_squeeze %dma_start3A_57 : memref<1x250x80xi32, #tpu.memory_space<hbm>> -> memref<250x80xi32, #tpu.memory_space<hbm>>
      %dma_start3A_59 = arith.constant 0 : i32
      %dma_start3A_60 = arith.constant 0 : i32
      %dma_start3A_61 = tpu.memref_slice %arg3[%arg1, %dma_start3A_59, %dma_start3A_60] : memref<16x250x80xi32, #tpu.memory_space<hbm>> -> memref<1x250x80xi32, #tpu.memory_space<hbm>>
      %dma_start3A_62 = tpu.memref_squeeze %dma_start3A_61 : memref<1x250x80xi32, #tpu.memory_space<hbm>> -> memref<250x80xi32, #tpu.memory_space<hbm>>
      tpu.enqueue_dma source(%dma_start3A_62 : memref<250x80xi32, #tpu.memory_space<hbm>>) target(%arg8 : memref<250x80xi32, #tpu.memory_space<vmem>>) target_semaphore(%run_scoped3A : memref<!tpu.dma_semaphore, #tpu.memory_space<semaphore_mem>>)
      %dma_wait3A_63 = arith.constant 0 : i32
      %dma_wait3A_64 = arith.constant 0 : i32
      %dma_wait3A_65 = tpu.memref_slice %arg3[%arg1, %dma_wait3A_63, %dma_wait3A_64] : memref<16x250x80xi32, #tpu.memory_space<hbm>> -> memref<1x250x80xi32, #tpu.memory_space<hbm>>
      %dma_wait3A_66 = tpu.memref_squeeze %dma_wait3A_65 : memref<1x250x80xi32, #tpu.memory_space<hbm>> -> memref<250x80xi32, #tpu.memory_space<hbm>>
      %dma_wait3A_67 = arith.constant 0 : i32
      %dma_wait3A_68 = arith.constant 0 : i32
      %dma_wait3A_69 = tpu.memref_slice %arg3[%arg1, %dma_wait3A_67, %dma_wait3A_68] : memref<16x250x80xi32, #tpu.memory_space<hbm>> -> memref<1x250x80xi32, #tpu.memory_space<hbm>>
      %dma_wait3A_70 = tpu.memref_squeeze %dma_wait3A_69 : memref<1x250x80xi32, #tpu.memory_space<hbm>> -> memref<250x80xi32, #tpu.memory_space<hbm>>
      tpu.wait_dma2 semaphore(%run_scoped3A : memref<!tpu.dma_semaphore, #tpu.memory_space<semaphore_mem>>) src(%dma_wait3A_70 : memref<250x80xi32, #tpu.memory_space<hbm>>) dst(%arg8 : memref<250x80xi32, #tpu.memory_space<vmem>>)
      tpu.yield
    }) : () -> ()
    "tpu.region"() ({
      %run_scoped3A = tpu.sem_alloc : memref<!tpu.dma_semaphore, #tpu.memory_space<semaphore_mem>>
      %dma_start3A_55 = arith.constant 0 : i32
      %dma_start3A_56 = arith.constant 0 : i32
      %dma_start3A_57 = tpu.memref_slice %arg4[%arg1, %dma_start3A_55, %dma_start3A_56] : memref<16x250x80xi32, #tpu.memory_space<hbm>> -> memref<1x250x80xi32, #tpu.memory_space<hbm>>
      %dma_start3A_58 = tpu.memref_squeeze %dma_start3A_57 : memref<1x250x80xi32, #tpu.memory_space<hbm>> -> memref<250x80xi32, #tpu.memory_space<hbm>>
      %dma_start3A_59 = arith.constant 0 : i32
      %dma_start3A_60 = arith.constant 0 : i32
      %dma_start3A_61 = tpu.memref_slice %arg4[%arg1, %dma_start3A_59, %dma_start3A_60] : memref<16x250x80xi32, #tpu.memory_space<hbm>> -> memref<1x250x80xi32, #tpu.memory_space<hbm>>
      %dma_start3A_62 = tpu.memref_squeeze %dma_start3A_61 : memref<1x250x80xi32, #tpu.memory_space<hbm>> -> memref<250x80xi32, #tpu.memory_space<hbm>>
      tpu.enqueue_dma source(%dma_start3A_62 : memref<250x80xi32, #tpu.memory_space<hbm>>) target(%arg9 : memref<250x80xi32, #tpu.memory_space<vmem>>) target_semaphore(%run_scoped3A : memref<!tpu.dma_semaphore, #tpu.memory_space<semaphore_mem>>)
      %dma_wait3A_63 = arith.constant 0 : i32
      %dma_wait3A_64 = arith.constant 0 : i32
      %dma_wait3A_65 = tpu.memref_slice %arg4[%arg1, %dma_wait3A_63, %dma_wait3A_64] : memref<16x250x80xi32, #tpu.memory_space<hbm>> -> memref<1x250x80xi32, #tpu.memory_space<hbm>>
      %dma_wait3A_66 = tpu.memref_squeeze %dma_wait3A_65 : memref<1x250x80xi32, #tpu.memory_space<hbm>> -> memref<250x80xi32, #tpu.memory_space<hbm>>
      %dma_wait3A_67 = arith.constant 0 : i32
      %dma_wait3A_68 = arith.constant 0 : i32
      %dma_wait3A_69 = tpu.memref_slice %arg4[%arg1, %dma_wait3A_67, %dma_wait3A_68] : memref<16x250x80xi32, #tpu.memory_space<hbm>> -> memref<1x250x80xi32, #tpu.memory_space<hbm>>
      %dma_wait3A_70 = tpu.memref_squeeze %dma_wait3A_69 : memref<1x250x80xi32, #tpu.memory_space<hbm>> -> memref<250x80xi32, #tpu.memory_space<hbm>>
      tpu.wait_dma2 semaphore(%run_scoped3A : memref<!tpu.dma_semaphore, #tpu.memory_space<semaphore_mem>>) src(%dma_wait3A_70 : memref<250x80xi32, #tpu.memory_space<hbm>>) dst(%arg9 : memref<250x80xi32, #tpu.memory_space<vmem>>)
      tpu.yield
    }) : () -> ()
    %barrier3A = arith.constant 0 : index
    tpu.barrier barrier_id(%barrier3A)
    %dma_start3A = arith.constant 0 : i32
    %dma_start3A_1 = arith.constant 0 : i32
    %dma_start3A_2 = tpu.memref_slice %arg8[%dma_start3A, %dma_start3A_1] : memref<250x80xi32, #tpu.memory_space<vmem>> -> memref<1x80xi32, #tpu.memory_space<vmem>>
    %dma_start3A_3 = tpu.memref_squeeze %dma_start3A_2 : memref<1x80xi32, #tpu.memory_space<vmem>> -> memref<80xi32, #tpu.memory_space<vmem>>
    %dma_start3A_4 = arith.constant 0 : i32
    %dma_start3A_5 = arith.constant 0 : i32
    %dma_start3A_6 = tpu.memref_slice %arg2[%arg0, %dma_start3A_4, %dma_start3A_5] : memref<2x10240x64xf32, #tpu.memory_space<hbm>> -> memref<1x10240x64xf32, #tpu.memory_space<hbm>>
    %dma_start3A_7 = tpu.memref_squeeze %dma_start3A_6 : memref<1x10240x64xf32, #tpu.memory_space<hbm>> -> memref<10240x64xf32, #tpu.memory_space<hbm>>
    %dma_start3A_8 = arith.constant 0 : i32
    %dma_start3A_9 = arith.constant 0 : i32
    %dma_start3A_10 = tpu.memref_slice %dma_start3A_7[%dma_start3A_8, %dma_start3A_9] : memref<10240x64xf32, #tpu.memory_space<hbm>> -> memref<10240x64xf32, #tpu.memory_space<hbm>>
    tpu.enqueue_indirect_dma source(%dma_start3A_10 : memref<10240x64xf32, #tpu.memory_space<hbm>>) target(%arg10 : memref<80x64xf32, #tpu.memory_space<vmem>>) offsets(%dma_start3A_3 : memref<80xi32, #tpu.memory_space<vmem>>) semaphore(%arg15 : memref<!tpu.dma_semaphore, #tpu.memory_space<semaphore_mem>>)
    %dma_start3A_11 = arith.constant 1 : i32
    %dma_start3A_12 = arith.constant 0 : i32
    %dma_start3A_13 = tpu.memref_slice %arg8[%dma_start3A_11, %dma_start3A_12] : memref<250x80xi32, #tpu.memory_space<vmem>> -> memref<1x80xi32, #tpu.memory_space<vmem>>
    %dma_start3A_14 = tpu.memref_squeeze %dma_start3A_13 : memref<1x80xi32, #tpu.memory_space<vmem>> -> memref<80xi32, #tpu.memory_space<vmem>>
    %dma_start3A_15 = arith.constant 0 : i32
    %dma_start3A_16 = arith.constant 0 : i32
    %dma_start3A_17 = tpu.memref_slice %arg2[%arg0, %dma_start3A_15, %dma_start3A_16] : memref<2x10240x64xf32, #tpu.memory_space<hbm>> -> memref<1x10240x64xf32, #tpu.memory_space<hbm>>
    %dma_start3A_18 = tpu.memref_squeeze %dma_start3A_17 : memref<1x10240x64xf32, #tpu.memory_space<hbm>> -> memref<10240x64xf32, #tpu.memory_space<hbm>>
    %dma_start3A_19 = arith.constant 0 : i32
    %dma_start3A_20 = arith.constant 0 : i32
    %dma_start3A_21 = tpu.memref_slice %dma_start3A_18[%dma_start3A_19, %dma_start3A_20] : memref<10240x64xf32, #tpu.memory_space<hbm>> -> memref<10240x64xf32, #tpu.memory_space<hbm>>
    tpu.enqueue_indirect_dma source(%dma_start3A_21 : memref<10240x64xf32, #tpu.memory_space<hbm>>) target(%arg11 : memref<80x64xf32, #tpu.memory_space<vmem>>) offsets(%dma_start3A_14 : memref<80xi32, #tpu.memory_space<vmem>>) semaphore(%arg16 : memref<!tpu.dma_semaphore, #tpu.memory_space<semaphore_mem>>)
    %dma_start3A_22 = arith.constant 2 : i32
    %dma_start3A_23 = arith.constant 0 : i32
    %dma_start3A_24 = tpu.memref_slice %arg8[%dma_start3A_22, %dma_start3A_23] : memref<250x80xi32, #tpu.memory_space<vmem>> -> memref<1x80xi32, #tpu.memory_space<vmem>>
    %dma_start3A_25 = tpu.memref_squeeze %dma_start3A_24 : memref<1x80xi32, #tpu.memory_space<vmem>> -> memref<80xi32, #tpu.memory_space<vmem>>
    %dma_start3A_26 = arith.constant 0 : i32
    %dma_start3A_27 = arith.constant 0 : i32
    %dma_start3A_28 = tpu.memref_slice %arg2[%arg0, %dma_start3A_26, %dma_start3A_27] : memref<2x10240x64xf32, #tpu.memory_space<hbm>> -> memref<1x10240x64xf32, #tpu.memory_space<hbm>>
    %dma_start3A_29 = tpu.memref_squeeze %dma_start3A_28 : memref<1x10240x64xf32, #tpu.memory_space<hbm>> -> memref<10240x64xf32, #tpu.memory_space<hbm>>
    %dma_start3A_30 = arith.constant 0 : i32
    %dma_start3A_31 = arith.constant 0 : i32
    %dma_start3A_32 = tpu.memref_slice %dma_start3A_29[%dma_start3A_30, %dma_start3A_31] : memref<10240x64xf32, #tpu.memory_space<hbm>> -> memref<10240x64xf32, #tpu.memory_space<hbm>>
    tpu.enqueue_indirect_dma source(%dma_start3A_32 : memref<10240x64xf32, #tpu.memory_space<hbm>>) target(%arg12 : memref<80x64xf32, #tpu.memory_space<vmem>>) offsets(%dma_start3A_25 : memref<80xi32, #tpu.memory_space<vmem>>) semaphore(%arg17 : memref<!tpu.dma_semaphore, #tpu.memory_space<semaphore_mem>>)
    %dma_start3A_33 = arith.constant 3 : i32
    %dma_start3A_34 = arith.constant 0 : i32
    %dma_start3A_35 = tpu.memref_slice %arg8[%dma_start3A_33, %dma_start3A_34] : memref<250x80xi32, #tpu.memory_space<vmem>> -> memref<1x80xi32, #tpu.memory_space<vmem>>
    %dma_start3A_36 = tpu.memref_squeeze %dma_start3A_35 : memref<1x80xi32, #tpu.memory_space<vmem>> -> memref<80xi32, #tpu.memory_space<vmem>>
    %dma_start3A_37 = arith.constant 0 : i32
    %dma_start3A_38 = arith.constant 0 : i32
    %dma_start3A_39 = tpu.memref_slice %arg2[%arg0, %dma_start3A_37, %dma_start3A_38] : memref<2x10240x64xf32, #tpu.memory_space<hbm>> -> memref<1x10240x64xf32, #tpu.memory_space<hbm>>
    %dma_start3A_40 = tpu.memref_squeeze %dma_start3A_39 : memref<1x10240x64xf32, #tpu.memory_space<hbm>> -> memref<10240x64xf32, #tpu.memory_space<hbm>>
    %dma_start3A_41 = arith.constant 0 : i32
    %dma_start3A_42 = arith.constant 0 : i32
    %dma_start3A_43 = tpu.memref_slice %dma_start3A_40[%dma_start3A_41, %dma_start3A_42] : memref<10240x64xf32, #tpu.memory_space<hbm>> -> memref<10240x64xf32, #tpu.memory_space<hbm>>
    tpu.enqueue_indirect_dma source(%dma_start3A_43 : memref<10240x64xf32, #tpu.memory_space<hbm>>) target(%arg13 : memref<80x64xf32, #tpu.memory_space<vmem>>) offsets(%dma_start3A_36 : memref<80xi32, #tpu.memory_space<vmem>>) semaphore(%arg18 : memref<!tpu.dma_semaphore, #tpu.memory_space<semaphore_mem>>)
    %scan3A = arith.constant 0 : i32
    %scan3A_44 = arith.constant 0 : i32
    %scan3A_45 = arith.constant 50 : i32
    %scan3A_46 = arith.addi %scan3A_44, %scan3A_45 : i32
    %scan3A_47 = arith.constant 1 : i32
    scf.for %scan3A_55 = %scan3A_44 to %scan3A_46 step %scan3A_47  : i32 {
      %mul3A_56 = arith.constant 5 : i32
      %mul3A_57 = arith.muli %scan3A_55, %mul3A_56 : i32
      %add3A = arith.constant 0 : i32
      %add3A_58 = arith.addi %mul3A_57, %add3A : i32
      %ge3A = arith.constant 1 : i32
      %ge3A_59 = arith.cmpi sge, %add3A_58, %ge3A : i32
      %convert_element_type3A = arith.extui %ge3A_59 : i1 to i32
      %cond3A = arith.constant 0 : i32
      %cond3A_60 = arith.cmpi ne, %convert_element_type3A, %cond3A : i32
      scf.if %cond3A_60 {
        %dma_wait3A_206 = arith.constant 0 : i32
        %dma_wait3A_207 = arith.constant 0 : i32
        %dma_wait3A_208 = tpu.memref_slice %arg7[%dma_wait3A_206, %dma_wait3A_207] : memref<10240x64xf32, #tpu.memory_space<vmem_shared>> -> memref<80x64xf32, #tpu.memory_space<vmem_shared>>
        %dma_wait3A_209 = arith.constant 0 : i32
        %dma_wait3A_210 = arith.constant 0 : i32
        %dma_wait3A_211 = tpu.memref_slice %arg7[%dma_wait3A_209, %dma_wait3A_210] : memref<10240x64xf32, #tpu.memory_space<vmem_shared>> -> memref<80x64xf32, #tpu.memory_space<vmem_shared>>
        tpu.wait_dma2 semaphore(%arg24 : memref<!tpu.dma_semaphore, #tpu.memory_space<semaphore_mem>>) src(%arg14 : memref<80x64xf32, #tpu.memory_space<vmem>>) dst(%dma_wait3A_211 : memref<80x64xf32, #tpu.memory_space<vmem_shared>>)
      } else {
      }
      %lt3A = arith.constant 246 : i32
      %lt3A_61 = arith.cmpi slt, %add3A_58, %lt3A : i32
      %convert_element_type3A_62 = arith.extui %lt3A_61 : i1 to i32
      %cond3A_63 = arith.constant 0 : i32
      %cond3A_64 = arith.cmpi ne, %convert_element_type3A_62, %cond3A_63 : i32
      scf.if %cond3A_64 {
        %add3A_206 = arith.constant 5 : i32
        %add3A_207 = arith.addi %add3A_58, %add3A_206 : i32
        %sub3A = arith.constant 1 : i32
        %sub3A_208 = arith.subi %add3A_207, %sub3A : i32
        %dma_start3A_209 = arith.constant 0 : i32
        %dma_start3A_210 = tpu.memref_slice %arg8[%sub3A_208, %dma_start3A_209] : memref<250x80xi32, #tpu.memory_space<vmem>> -> memref<1x80xi32, #tpu.memory_space<vmem>>
        %dma_start3A_211 = tpu.memref_squeeze %dma_start3A_210 : memref<1x80xi32, #tpu.memory_space<vmem>> -> memref<80xi32, #tpu.memory_space<vmem>>
        %dma_start3A_212 = arith.constant 0 : i32
        %dma_start3A_213 = arith.constant 0 : i32
        %dma_start3A_214 = tpu.memref_slice %arg2[%arg0, %dma_start3A_212, %dma_start3A_213] : memref<2x10240x64xf32, #tpu.memory_space<hbm>> -> memref<1x10240x64xf32, #tpu.memory_space<hbm>>
        %dma_start3A_215 = tpu.memref_squeeze %dma_start3A_214 : memref<1x10240x64xf32, #tpu.memory_space<hbm>> -> memref<10240x64xf32, #tpu.memory_space<hbm>>
        %dma_start3A_216 = arith.constant 0 : i32
        %dma_start3A_217 = arith.constant 0 : i32
        %dma_start3A_218 = tpu.memref_slice %dma_start3A_215[%dma_start3A_216, %dma_start3A_217] : memref<10240x64xf32, #tpu.memory_space<hbm>> -> memref<10240x64xf32, #tpu.memory_space<hbm>>
        tpu.enqueue_indirect_dma source(%dma_start3A_218 : memref<10240x64xf32, #tpu.memory_space<hbm>>) target(%arg14 : memref<80x64xf32, #tpu.memory_space<vmem>>) offsets(%dma_start3A_211 : memref<80xi32, #tpu.memory_space<vmem>>) semaphore(%arg19 : memref<!tpu.dma_semaphore, #tpu.memory_space<semaphore_mem>>)
      } else {
      }
      %dma_wait3A_65 = arith.constant 0 : i32
      %dma_wait3A_66 = arith.constant 0 : i32
      %dma_wait3A_67 = tpu.memref_slice %arg8[%dma_wait3A_65, %dma_wait3A_66] : memref<250x80xi32, #tpu.memory_space<vmem>> -> memref<1x80xi32, #tpu.memory_space<vmem>>
      %dma_wait3A_68 = tpu.memref_squeeze %dma_wait3A_67 : memref<1x80xi32, #tpu.memory_space<vmem>> -> memref<80xi32, #tpu.memory_space<vmem>>
      %dma_wait3A_69 = arith.constant 0 : i32
      %dma_wait3A_70 = arith.constant 0 : i32
      %dma_wait3A_71 = tpu.memref_slice %arg2[%arg0, %dma_wait3A_69, %dma_wait3A_70] : memref<2x10240x64xf32, #tpu.memory_space<hbm>> -> memref<1x10240x64xf32, #tpu.memory_space<hbm>>
      %dma_wait3A_72 = tpu.memref_squeeze %dma_wait3A_71 : memref<1x10240x64xf32, #tpu.memory_space<hbm>> -> memref<10240x64xf32, #tpu.memory_space<hbm>>
      %dma_wait3A_73 = arith.constant 0 : i32
      %dma_wait3A_74 = arith.constant 0 : i32
      %dma_wait3A_75 = tpu.memref_slice %dma_wait3A_72[%dma_wait3A_73, %dma_wait3A_74] : memref<10240x64xf32, #tpu.memory_space<hbm>> -> memref<10240x64xf32, #tpu.memory_space<hbm>>
      tpu.wait_indirect_dma semaphore(%arg15 : memref<!tpu.dma_semaphore, #tpu.memory_space<semaphore_mem>>) src(%dma_wait3A_75 : memref<10240x64xf32, #tpu.memory_space<hbm>>) dst(%arg10 : memref<80x64xf32, #tpu.memory_space<vmem>>)
      %dma_start3A_76 = arith.constant 0 : i32
      %dma_start3A_77 = tpu.memref_slice %arg9[%add3A_58, %dma_start3A_76] : memref<250x80xi32, #tpu.memory_space<vmem>> -> memref<1x80xi32, #tpu.memory_space<vmem>>
      %dma_start3A_78 = tpu.memref_squeeze %dma_start3A_77 : memref<1x80xi32, #tpu.memory_space<vmem>> -> memref<80xi32, #tpu.memory_space<vmem>>
      %dma_start3A_79 = arith.constant 0 : i32
      %dma_start3A_80 = arith.constant 0 : i32
      %dma_start3A_81 = tpu.memref_slice %arg7[%dma_start3A_79, %dma_start3A_80] : memref<10240x64xf32, #tpu.memory_space<vmem_shared>> -> memref<10240x64xf32, #tpu.memory_space<vmem_shared>>
      tpu.enqueue_indirect_dma source(%arg10 : memref<80x64xf32, #tpu.memory_space<vmem>>) target(%dma_start3A_81 : memref<10240x64xf32, #tpu.memory_space<vmem_shared>>) offsets(%dma_start3A_78 : memref<80xi32, #tpu.memory_space<vmem>>) semaphore(%arg20 : memref<!tpu.dma_semaphore, #tpu.memory_space<semaphore_mem>>) {add = true}
      %mul3A_82 = arith.constant 5 : i32
      %mul3A_83 = arith.muli %scan3A_55, %mul3A_82 : i32
      %add3A_84 = arith.constant 1 : i32
      %add3A_85 = arith.addi %mul3A_83, %add3A_84 : i32
      %ge3A_86 = arith.constant 1 : i32
      %ge3A_87 = arith.cmpi sge, %add3A_85, %ge3A_86 : i32
      %convert_element_type3A_88 = arith.extui %ge3A_87 : i1 to i32
      %cond3A_89 = arith.constant 0 : i32
      %cond3A_90 = arith.cmpi ne, %convert_element_type3A_88, %cond3A_89 : i32
      scf.if %cond3A_90 {
        %dma_wait3A_206 = arith.constant 0 : i32
        %dma_wait3A_207 = arith.constant 0 : i32
        %dma_wait3A_208 = tpu.memref_slice %arg7[%dma_wait3A_206, %dma_wait3A_207] : memref<10240x64xf32, #tpu.memory_space<vmem_shared>> -> memref<80x64xf32, #tpu.memory_space<vmem_shared>>
        %dma_wait3A_209 = arith.constant 0 : i32
        %dma_wait3A_210 = arith.constant 0 : i32
        %dma_wait3A_211 = tpu.memref_slice %arg7[%dma_wait3A_209, %dma_wait3A_210] : memref<10240x64xf32, #tpu.memory_space<vmem_shared>> -> memref<80x64xf32, #tpu.memory_space<vmem_shared>>
        tpu.wait_dma2 semaphore(%arg20 : memref<!tpu.dma_semaphore, #tpu.memory_space<semaphore_mem>>) src(%arg10 : memref<80x64xf32, #tpu.memory_space<vmem>>) dst(%dma_wait3A_211 : memref<80x64xf32, #tpu.memory_space<vmem_shared>>)
      } else {
      }
      %lt3A_91 = arith.constant 246 : i32
      %lt3A_92 = arith.cmpi slt, %add3A_85, %lt3A_91 : i32
      %convert_element_type3A_93 = arith.extui %lt3A_92 : i1 to i32
      %cond3A_94 = arith.constant 0 : i32
      %cond3A_95 = arith.cmpi ne, %convert_element_type3A_93, %cond3A_94 : i32
      scf.if %cond3A_95 {
        %add3A_206 = arith.constant 5 : i32
        %add3A_207 = arith.addi %add3A_85, %add3A_206 : i32
        %sub3A = arith.constant 1 : i32
        %sub3A_208 = arith.subi %add3A_207, %sub3A : i32
        %dma_start3A_209 = arith.constant 0 : i32
        %dma_start3A_210 = tpu.memref_slice %arg8[%sub3A_208, %dma_start3A_209] : memref<250x80xi32, #tpu.memory_space<vmem>> -> memref<1x80xi32, #tpu.memory_space<vmem>>
        %dma_start3A_211 = tpu.memref_squeeze %dma_start3A_210 : memref<1x80xi32, #tpu.memory_space<vmem>> -> memref<80xi32, #tpu.memory_space<vmem>>
        %dma_start3A_212 = arith.constant 0 : i32
        %dma_start3A_213 = arith.constant 0 : i32
        %dma_start3A_214 = tpu.memref_slice %arg2[%arg0, %dma_start3A_212, %dma_start3A_213] : memref<2x10240x64xf32, #tpu.memory_space<hbm>> -> memref<1x10240x64xf32, #tpu.memory_space<hbm>>
        %dma_start3A_215 = tpu.memref_squeeze %dma_start3A_214 : memref<1x10240x64xf32, #tpu.memory_space<hbm>> -> memref<10240x64xf32, #tpu.memory_space<hbm>>
        %dma_start3A_216 = arith.constant 0 : i32
        %dma_start3A_217 = arith.constant 0 : i32
        %dma_start3A_218 = tpu.memref_slice %dma_start3A_215[%dma_start3A_216, %dma_start3A_217] : memref<10240x64xf32, #tpu.memory_space<hbm>> -> memref<10240x64xf32, #tpu.memory_space<hbm>>
        tpu.enqueue_indirect_dma source(%dma_start3A_218 : memref<10240x64xf32, #tpu.memory_space<hbm>>) target(%arg10 : memref<80x64xf32, #tpu.memory_space<vmem>>) offsets(%dma_start3A_211 : memref<80xi32, #tpu.memory_space<vmem>>) semaphore(%arg15 : memref<!tpu.dma_semaphore, #tpu.memory_space<semaphore_mem>>)
      } else {
      }
      %dma_wait3A_96 = arith.constant 0 : i32
      %dma_wait3A_97 = arith.constant 0 : i32
      %dma_wait3A_98 = tpu.memref_slice %arg8[%dma_wait3A_96, %dma_wait3A_97] : memref<250x80xi32, #tpu.memory_space<vmem>> -> memref<1x80xi32, #tpu.memory_space<vmem>>
      %dma_wait3A_99 = tpu.memref_squeeze %dma_wait3A_98 : memref<1x80xi32, #tpu.memory_space<vmem>> -> memref<80xi32, #tpu.memory_space<vmem>>
      %dma_wait3A_100 = arith.constant 0 : i32
      %dma_wait3A_101 = arith.constant 0 : i32
      %dma_wait3A_102 = tpu.memref_slice %arg2[%arg0, %dma_wait3A_100, %dma_wait3A_101] : memref<2x10240x64xf32, #tpu.memory_space<hbm>> -> memref<1x10240x64xf32, #tpu.memory_space<hbm>>
      %dma_wait3A_103 = tpu.memref_squeeze %dma_wait3A_102 : memref<1x10240x64xf32, #tpu.memory_space<hbm>> -> memref<10240x64xf32, #tpu.memory_space<hbm>>
      %dma_wait3A_104 = arith.constant 0 : i32
      %dma_wait3A_105 = arith.constant 0 : i32
      %dma_wait3A_106 = tpu.memref_slice %dma_wait3A_103[%dma_wait3A_104, %dma_wait3A_105] : memref<10240x64xf32, #tpu.memory_space<hbm>> -> memref<10240x64xf32, #tpu.memory_space<hbm>>
      tpu.wait_indirect_dma semaphore(%arg16 : memref<!tpu.dma_semaphore, #tpu.memory_space<semaphore_mem>>) src(%dma_wait3A_106 : memref<10240x64xf32, #tpu.memory_space<hbm>>) dst(%arg11 : memref<80x64xf32, #tpu.memory_space<vmem>>)
      %dma_start3A_107 = arith.constant 0 : i32
      %dma_start3A_108 = tpu.memref_slice %arg9[%add3A_85, %dma_start3A_107] : memref<250x80xi32, #tpu.memory_space<vmem>> -> memref<1x80xi32, #tpu.memory_space<vmem>>
      %dma_start3A_109 = tpu.memref_squeeze %dma_start3A_108 : memref<1x80xi32, #tpu.memory_space<vmem>> -> memref<80xi32, #tpu.memory_space<vmem>>
      %dma_start3A_110 = arith.constant 0 : i32
      %dma_start3A_111 = arith.constant 0 : i32
      %dma_start3A_112 = tpu.memref_slice %arg7[%dma_start3A_110, %dma_start3A_111] : memref<10240x64xf32, #tpu.memory_space<vmem_shared>> -> memref<10240x64xf32, #tpu.memory_space<vmem_shared>>
      tpu.enqueue_indirect_dma source(%arg11 : memref<80x64xf32, #tpu.memory_space<vmem>>) target(%dma_start3A_112 : memref<10240x64xf32, #tpu.memory_space<vmem_shared>>) offsets(%dma_start3A_109 : memref<80xi32, #tpu.memory_space<vmem>>) semaphore(%arg21 : memref<!tpu.dma_semaphore, #tpu.memory_space<semaphore_mem>>) {add = true}
      %mul3A_113 = arith.constant 5 : i32
      %mul3A_114 = arith.muli %scan3A_55, %mul3A_113 : i32
      %add3A_115 = arith.constant 2 : i32
      %add3A_116 = arith.addi %mul3A_114, %add3A_115 : i32
      %ge3A_117 = arith.constant 1 : i32
      %ge3A_118 = arith.cmpi sge, %add3A_116, %ge3A_117 : i32
      %convert_element_type3A_119 = arith.extui %ge3A_118 : i1 to i32
      %cond3A_120 = arith.constant 0 : i32
      %cond3A_121 = arith.cmpi ne, %convert_element_type3A_119, %cond3A_120 : i32
      scf.if %cond3A_121 {
        %dma_wait3A_206 = arith.constant 0 : i32
        %dma_wait3A_207 = arith.constant 0 : i32
        %dma_wait3A_208 = tpu.memref_slice %arg7[%dma_wait3A_206, %dma_wait3A_207] : memref<10240x64xf32, #tpu.memory_space<vmem_shared>> -> memref<80x64xf32, #tpu.memory_space<vmem_shared>>
        %dma_wait3A_209 = arith.constant 0 : i32
        %dma_wait3A_210 = arith.constant 0 : i32
        %dma_wait3A_211 = tpu.memref_slice %arg7[%dma_wait3A_209, %dma_wait3A_210] : memref<10240x64xf32, #tpu.memory_space<vmem_shared>> -> memref<80x64xf32, #tpu.memory_space<vmem_shared>>
        tpu.wait_dma2 semaphore(%arg21 : memref<!tpu.dma_semaphore, #tpu.memory_space<semaphore_mem>>) src(%arg11 : memref<80x64xf32, #tpu.memory_space<vmem>>) dst(%dma_wait3A_211 : memref<80x64xf32, #tpu.memory_space<vmem_shared>>)
      } else {
      }
      %lt3A_122 = arith.constant 246 : i32
      %lt3A_123 = arith.cmpi slt, %add3A_116, %lt3A_122 : i32
      %convert_element_type3A_124 = arith.extui %lt3A_123 : i1 to i32
      %cond3A_125 = arith.constant 0 : i32
      %cond3A_126 = arith.cmpi ne, %convert_element_type3A_124, %cond3A_125 : i32
      scf.if %cond3A_126 {
        %add3A_206 = arith.constant 5 : i32
        %add3A_207 = arith.addi %add3A_116, %add3A_206 : i32
        %sub3A = arith.constant 1 : i32
        %sub3A_208 = arith.subi %add3A_207, %sub3A : i32
        %dma_start3A_209 = arith.constant 0 : i32
        %dma_start3A_210 = tpu.memref_slice %arg8[%sub3A_208, %dma_start3A_209] : memref<250x80xi32, #tpu.memory_space<vmem>> -> memref<1x80xi32, #tpu.memory_space<vmem>>
        %dma_start3A_211 = tpu.memref_squeeze %dma_start3A_210 : memref<1x80xi32, #tpu.memory_space<vmem>> -> memref<80xi32, #tpu.memory_space<vmem>>
        %dma_start3A_212 = arith.constant 0 : i32
        %dma_start3A_213 = arith.constant 0 : i32
        %dma_start3A_214 = tpu.memref_slice %arg2[%arg0, %dma_start3A_212, %dma_start3A_213] : memref<2x10240x64xf32, #tpu.memory_space<hbm>> -> memref<1x10240x64xf32, #tpu.memory_space<hbm>>
        %dma_start3A_215 = tpu.memref_squeeze %dma_start3A_214 : memref<1x10240x64xf32, #tpu.memory_space<hbm>> -> memref<10240x64xf32, #tpu.memory_space<hbm>>
        %dma_start3A_216 = arith.constant 0 : i32
        %dma_start3A_217 = arith.constant 0 : i32
        %dma_start3A_218 = tpu.memref_slice %dma_start3A_215[%dma_start3A_216, %dma_start3A_217] : memref<10240x64xf32, #tpu.memory_space<hbm>> -> memref<10240x64xf32, #tpu.memory_space<hbm>>
        tpu.enqueue_indirect_dma source(%dma_start3A_218 : memref<10240x64xf32, #tpu.memory_space<hbm>>) target(%arg11 : memref<80x64xf32, #tpu.memory_space<vmem>>) offsets(%dma_start3A_211 : memref<80xi32, #tpu.memory_space<vmem>>) semaphore(%arg16 : memref<!tpu.dma_semaphore, #tpu.memory_space<semaphore_mem>>)
      } else {
      }
      %dma_wait3A_127 = arith.constant 0 : i32
      %dma_wait3A_128 = arith.constant 0 : i32
      %dma_wait3A_129 = tpu.memref_slice %arg8[%dma_wait3A_127, %dma_wait3A_128] : memref<250x80xi32, #tpu.memory_space<vmem>> -> memref<1x80xi32, #tpu.memory_space<vmem>>
      %dma_wait3A_130 = tpu.memref_squeeze %dma_wait3A_129 : memref<1x80xi32, #tpu.memory_space<vmem>> -> memref<80xi32, #tpu.memory_space<vmem>>
      %dma_wait3A_131 = arith.constant 0 : i32
      %dma_wait3A_132 = arith.constant 0 : i32
      %dma_wait3A_133 = tpu.memref_slice %arg2[%arg0, %dma_wait3A_131, %dma_wait3A_132] : memref<2x10240x64xf32, #tpu.memory_space<hbm>> -> memref<1x10240x64xf32, #tpu.memory_space<hbm>>
      %dma_wait3A_134 = tpu.memref_squeeze %dma_wait3A_133 : memref<1x10240x64xf32, #tpu.memory_space<hbm>> -> memref<10240x64xf32, #tpu.memory_space<hbm>>
      %dma_wait3A_135 = arith.constant 0 : i32
      %dma_wait3A_136 = arith.constant 0 : i32
      %dma_wait3A_137 = tpu.memref_slice %dma_wait3A_134[%dma_wait3A_135, %dma_wait3A_136] : memref<10240x64xf32, #tpu.memory_space<hbm>> -> memref<10240x64xf32, #tpu.memory_space<hbm>>
      tpu.wait_indirect_dma semaphore(%arg17 : memref<!tpu.dma_semaphore, #tpu.memory_space<semaphore_mem>>) src(%dma_wait3A_137 : memref<10240x64xf32, #tpu.memory_space<hbm>>) dst(%arg12 : memref<80x64xf32, #tpu.memory_space<vmem>>)
      %dma_start3A_138 = arith.constant 0 : i32
      %dma_start3A_139 = tpu.memref_slice %arg9[%add3A_116, %dma_start3A_138] : memref<250x80xi32, #tpu.memory_space<vmem>> -> memref<1x80xi32, #tpu.memory_space<vmem>>
      %dma_start3A_140 = tpu.memref_squeeze %dma_start3A_139 : memref<1x80xi32, #tpu.memory_space<vmem>> -> memref<80xi32, #tpu.memory_space<vmem>>
      %dma_start3A_141 = arith.constant 0 : i32
      %dma_start3A_142 = arith.constant 0 : i32
      %dma_start3A_143 = tpu.memref_slice %arg7[%dma_start3A_141, %dma_start3A_142] : memref<10240x64xf32, #tpu.memory_space<vmem_shared>> -> memref<10240x64xf32, #tpu.memory_space<vmem_shared>>
      tpu.enqueue_indirect_dma source(%arg12 : memref<80x64xf32, #tpu.memory_space<vmem>>) target(%dma_start3A_143 : memref<10240x64xf32, #tpu.memory_space<vmem_shared>>) offsets(%dma_start3A_140 : memref<80xi32, #tpu.memory_space<vmem>>) semaphore(%arg22 : memref<!tpu.dma_semaphore, #tpu.memory_space<semaphore_mem>>) {add = true}
      %mul3A_144 = arith.constant 5 : i32
      %mul3A_145 = arith.muli %scan3A_55, %mul3A_144 : i32
      %add3A_146 = arith.constant 3 : i32
      %add3A_147 = arith.addi %mul3A_145, %add3A_146 : i32
      %ge3A_148 = arith.constant 1 : i32
      %ge3A_149 = arith.cmpi sge, %add3A_147, %ge3A_148 : i32
      %convert_element_type3A_150 = arith.extui %ge3A_149 : i1 to i32
      %cond3A_151 = arith.constant 0 : i32
      %cond3A_152 = arith.cmpi ne, %convert_element_type3A_150, %cond3A_151 : i32
      scf.if %cond3A_152 {
        %dma_wait3A_206 = arith.constant 0 : i32
        %dma_wait3A_207 = arith.constant 0 : i32
        %dma_wait3A_208 = tpu.memref_slice %arg7[%dma_wait3A_206, %dma_wait3A_207] : memref<10240x64xf32, #tpu.memory_space<vmem_shared>> -> memref<80x64xf32, #tpu.memory_space<vmem_shared>>
        %dma_wait3A_209 = arith.constant 0 : i32
        %dma_wait3A_210 = arith.constant 0 : i32
        %dma_wait3A_211 = tpu.memref_slice %arg7[%dma_wait3A_209, %dma_wait3A_210] : memref<10240x64xf32, #tpu.memory_space<vmem_shared>> -> memref<80x64xf32, #tpu.memory_space<vmem_shared>>
        tpu.wait_dma2 semaphore(%arg22 : memref<!tpu.dma_semaphore, #tpu.memory_space<semaphore_mem>>) src(%arg12 : memref<80x64xf32, #tpu.memory_space<vmem>>) dst(%dma_wait3A_211 : memref<80x64xf32, #tpu.memory_space<vmem_shared>>)
      } else {
      }
      %lt3A_153 = arith.constant 246 : i32
      %lt3A_154 = arith.cmpi slt, %add3A_147, %lt3A_153 : i32
      %convert_element_type3A_155 = arith.extui %lt3A_154 : i1 to i32
      %cond3A_156 = arith.constant 0 : i32
      %cond3A_157 = arith.cmpi ne, %convert_element_type3A_155, %cond3A_156 : i32
      scf.if %cond3A_157 {
        %add3A_206 = arith.constant 5 : i32
        %add3A_207 = arith.addi %add3A_147, %add3A_206 : i32
        %sub3A = arith.constant 1 : i32
        %sub3A_208 = arith.subi %add3A_207, %sub3A : i32
        %dma_start3A_209 = arith.constant 0 : i32
        %dma_start3A_210 = tpu.memref_slice %arg8[%sub3A_208, %dma_start3A_209] : memref<250x80xi32, #tpu.memory_space<vmem>> -> memref<1x80xi32, #tpu.memory_space<vmem>>
        %dma_start3A_211 = tpu.memref_squeeze %dma_start3A_210 : memref<1x80xi32, #tpu.memory_space<vmem>> -> memref<80xi32, #tpu.memory_space<vmem>>
        %dma_start3A_212 = arith.constant 0 : i32
        %dma_start3A_213 = arith.constant 0 : i32
        %dma_start3A_214 = tpu.memref_slice %arg2[%arg0, %dma_start3A_212, %dma_start3A_213] : memref<2x10240x64xf32, #tpu.memory_space<hbm>> -> memref<1x10240x64xf32, #tpu.memory_space<hbm>>
        %dma_start3A_215 = tpu.memref_squeeze %dma_start3A_214 : memref<1x10240x64xf32, #tpu.memory_space<hbm>> -> memref<10240x64xf32, #tpu.memory_space<hbm>>
        %dma_start3A_216 = arith.constant 0 : i32
        %dma_start3A_217 = arith.constant 0 : i32
        %dma_start3A_218 = tpu.memref_slice %dma_start3A_215[%dma_start3A_216, %dma_start3A_217] : memref<10240x64xf32, #tpu.memory_space<hbm>> -> memref<10240x64xf32, #tpu.memory_space<hbm>>
        tpu.enqueue_indirect_dma source(%dma_start3A_218 : memref<10240x64xf32, #tpu.memory_space<hbm>>) target(%arg12 : memref<80x64xf32, #tpu.memory_space<vmem>>) offsets(%dma_start3A_211 : memref<80xi32, #tpu.memory_space<vmem>>) semaphore(%arg17 : memref<!tpu.dma_semaphore, #tpu.memory_space<semaphore_mem>>)
      } else {
      }
      %dma_wait3A_158 = arith.constant 0 : i32
      %dma_wait3A_159 = arith.constant 0 : i32
      %dma_wait3A_160 = tpu.memref_slice %arg8[%dma_wait3A_158, %dma_wait3A_159] : memref<250x80xi32, #tpu.memory_space<vmem>> -> memref<1x80xi32, #tpu.memory_space<vmem>>
      %dma_wait3A_161 = tpu.memref_squeeze %dma_wait3A_160 : memref<1x80xi32, #tpu.memory_space<vmem>> -> memref<80xi32, #tpu.memory_space<vmem>>
      %dma_wait3A_162 = arith.constant 0 : i32
      %dma_wait3A_163 = arith.constant 0 : i32
      %dma_wait3A_164 = tpu.memref_slice %arg2[%arg0, %dma_wait3A_162, %dma_wait3A_163] : memref<2x10240x64xf32, #tpu.memory_space<hbm>> -> memref<1x10240x64xf32, #tpu.memory_space<hbm>>
      %dma_wait3A_165 = tpu.memref_squeeze %dma_wait3A_164 : memref<1x10240x64xf32, #tpu.memory_space<hbm>> -> memref<10240x64xf32, #tpu.memory_space<hbm>>
      %dma_wait3A_166 = arith.constant 0 : i32
      %dma_wait3A_167 = arith.constant 0 : i32
      %dma_wait3A_168 = tpu.memref_slice %dma_wait3A_165[%dma_wait3A_166, %dma_wait3A_167] : memref<10240x64xf32, #tpu.memory_space<hbm>> -> memref<10240x64xf32, #tpu.memory_space<hbm>>
      tpu.wait_indirect_dma semaphore(%arg18 : memref<!tpu.dma_semaphore, #tpu.memory_space<semaphore_mem>>) src(%dma_wait3A_168 : memref<10240x64xf32, #tpu.memory_space<hbm>>) dst(%arg13 : memref<80x64xf32, #tpu.memory_space<vmem>>)
      %dma_start3A_169 = arith.constant 0 : i32
      %dma_start3A_170 = tpu.memref_slice %arg9[%add3A_147, %dma_start3A_169] : memref<250x80xi32, #tpu.memory_space<vmem>> -> memref<1x80xi32, #tpu.memory_space<vmem>>
      %dma_start3A_171 = tpu.memref_squeeze %dma_start3A_170 : memref<1x80xi32, #tpu.memory_space<vmem>> -> memref<80xi32, #tpu.memory_space<vmem>>
      %dma_start3A_172 = arith.constant 0 : i32
      %dma_start3A_173 = arith.constant 0 : i32
      %dma_start3A_174 = tpu.memref_slice %arg7[%dma_start3A_172, %dma_start3A_173] : memref<10240x64xf32, #tpu.memory_space<vmem_shared>> -> memref<10240x64xf32, #tpu.memory_space<vmem_shared>>
      tpu.enqueue_indirect_dma source(%arg13 : memref<80x64xf32, #tpu.memory_space<vmem>>) target(%dma_start3A_174 : memref<10240x64xf32, #tpu.memory_space<vmem_shared>>) offsets(%dma_start3A_171 : memref<80xi32, #tpu.memory_space<vmem>>) semaphore(%arg23 : memref<!tpu.dma_semaphore, #tpu.memory_space<semaphore_mem>>) {add = true}
      %mul3A_175 = arith.constant 5 : i32
      %mul3A_176 = arith.muli %scan3A_55, %mul3A_175 : i32
      %add3A_177 = arith.constant 4 : i32
      %add3A_178 = arith.addi %mul3A_176, %add3A_177 : i32
      %ge3A_179 = arith.constant 1 : i32
      %ge3A_180 = arith.cmpi sge, %add3A_178, %ge3A_179 : i32
      %convert_element_type3A_181 = arith.extui %ge3A_180 : i1 to i32
      %cond3A_182 = arith.constant 0 : i32
      %cond3A_183 = arith.cmpi ne, %convert_element_type3A_181, %cond3A_182 : i32
      scf.if %cond3A_183 {
        %dma_wait3A_206 = arith.constant 0 : i32
        %dma_wait3A_207 = arith.constant 0 : i32
        %dma_wait3A_208 = tpu.memref_slice %arg7[%dma_wait3A_206, %dma_wait3A_207] : memref<10240x64xf32, #tpu.memory_space<vmem_shared>> -> memref<80x64xf32, #tpu.memory_space<vmem_shared>>
        %dma_wait3A_209 = arith.constant 0 : i32
        %dma_wait3A_210 = arith.constant 0 : i32
        %dma_wait3A_211 = tpu.memref_slice %arg7[%dma_wait3A_209, %dma_wait3A_210] : memref<10240x64xf32, #tpu.memory_space<vmem_shared>> -> memref<80x64xf32, #tpu.memory_space<vmem_shared>>
        tpu.wait_dma2 semaphore(%arg23 : memref<!tpu.dma_semaphore, #tpu.memory_space<semaphore_mem>>) src(%arg13 : memref<80x64xf32, #tpu.memory_space<vmem>>) dst(%dma_wait3A_211 : memref<80x64xf32, #tpu.memory_space<vmem_shared>>)
      } else {
      }
      %lt3A_184 = arith.constant 246 : i32
      %lt3A_185 = arith.cmpi slt, %add3A_178, %lt3A_184 : i32
      %convert_element_type3A_186 = arith.extui %lt3A_185 : i1 to i32
      %cond3A_187 = arith.constant 0 : i32
      %cond3A_188 = arith.cmpi ne, %convert_element_type3A_186, %cond3A_187 : i32
      scf.if %cond3A_188 {
        %add3A_206 = arith.constant 5 : i32
        %add3A_207 = arith.addi %add3A_178, %add3A_206 : i32
        %sub3A = arith.constant 1 : i32
        %sub3A_208 = arith.subi %add3A_207, %sub3A : i32
        %dma_start3A_209 = arith.constant 0 : i32
        %dma_start3A_210 = tpu.memref_slice %arg8[%sub3A_208, %dma_start3A_209] : memref<250x80xi32, #tpu.memory_space<vmem>> -> memref<1x80xi32, #tpu.memory_space<vmem>>
        %dma_start3A_211 = tpu.memref_squeeze %dma_start3A_210 : memref<1x80xi32, #tpu.memory_space<vmem>> -> memref<80xi32, #tpu.memory_space<vmem>>
        %dma_start3A_212 = arith.constant 0 : i32
        %dma_start3A_213 = arith.constant 0 : i32
        %dma_start3A_214 = tpu.memref_slice %arg2[%arg0, %dma_start3A_212, %dma_start3A_213] : memref<2x10240x64xf32, #tpu.memory_space<hbm>> -> memref<1x10240x64xf32, #tpu.memory_space<hbm>>
        %dma_start3A_215 = tpu.memref_squeeze %dma_start3A_214 : memref<1x10240x64xf32, #tpu.memory_space<hbm>> -> memref<10240x64xf32, #tpu.memory_space<hbm>>
        %dma_start3A_216 = arith.constant 0 : i32
        %dma_start3A_217 = arith.constant 0 : i32
        %dma_start3A_218 = tpu.memref_slice %dma_start3A_215[%dma_start3A_216, %dma_start3A_217] : memref<10240x64xf32, #tpu.memory_space<hbm>> -> memref<10240x64xf32, #tpu.memory_space<hbm>>
        tpu.enqueue_indirect_dma source(%dma_start3A_218 : memref<10240x64xf32, #tpu.memory_space<hbm>>) target(%arg13 : memref<80x64xf32, #tpu.memory_space<vmem>>) offsets(%dma_start3A_211 : memref<80xi32, #tpu.memory_space<vmem>>) semaphore(%arg18 : memref<!tpu.dma_semaphore, #tpu.memory_space<semaphore_mem>>)
      } else {
      }
      %dma_wait3A_189 = arith.constant 0 : i32
      %dma_wait3A_190 = arith.constant 0 : i32
      %dma_wait3A_191 = tpu.memref_slice %arg8[%dma_wait3A_189, %dma_wait3A_190] : memref<250x80xi32, #tpu.memory_space<vmem>> -> memref<1x80xi32, #tpu.memory_space<vmem>>
      %dma_wait3A_192 = tpu.memref_squeeze %dma_wait3A_191 : memref<1x80xi32, #tpu.memory_space<vmem>> -> memref<80xi32, #tpu.memory_space<vmem>>
      %dma_wait3A_193 = arith.constant 0 : i32
      %dma_wait3A_194 = arith.constant 0 : i32
      %dma_wait3A_195 = tpu.memref_slice %arg2[%arg0, %dma_wait3A_193, %dma_wait3A_194] : memref<2x10240x64xf32, #tpu.memory_space<hbm>> -> memref<1x10240x64xf32, #tpu.memory_space<hbm>>
      %dma_wait3A_196 = tpu.memref_squeeze %dma_wait3A_195 : memref<1x10240x64xf32, #tpu.memory_space<hbm>> -> memref<10240x64xf32, #tpu.memory_space<hbm>>
      %dma_wait3A_197 = arith.constant 0 : i32
      %dma_wait3A_198 = arith.constant 0 : i32
      %dma_wait3A_199 = tpu.memref_slice %dma_wait3A_196[%dma_wait3A_197, %dma_wait3A_198] : memref<10240x64xf32, #tpu.memory_space<hbm>> -> memref<10240x64xf32, #tpu.memory_space<hbm>>
      tpu.wait_indirect_dma semaphore(%arg19 : memref<!tpu.dma_semaphore, #tpu.memory_space<semaphore_mem>>) src(%dma_wait3A_199 : memref<10240x64xf32, #tpu.memory_space<hbm>>) dst(%arg14 : memref<80x64xf32, #tpu.memory_space<vmem>>)
      %dma_start3A_200 = arith.constant 0 : i32
      %dma_start3A_201 = tpu.memref_slice %arg9[%add3A_178, %dma_start3A_200] : memref<250x80xi32, #tpu.memory_space<vmem>> -> memref<1x80xi32, #tpu.memory_space<vmem>>
      %dma_start3A_202 = tpu.memref_squeeze %dma_start3A_201 : memref<1x80xi32, #tpu.memory_space<vmem>> -> memref<80xi32, #tpu.memory_space<vmem>>
      %dma_start3A_203 = arith.constant 0 : i32
      %dma_start3A_204 = arith.constant 0 : i32
      %dma_start3A_205 = tpu.memref_slice %arg7[%dma_start3A_203, %dma_start3A_204] : memref<10240x64xf32, #tpu.memory_space<vmem_shared>> -> memref<10240x64xf32, #tpu.memory_space<vmem_shared>>
      tpu.enqueue_indirect_dma source(%arg14 : memref<80x64xf32, #tpu.memory_space<vmem>>) target(%dma_start3A_205 : memref<10240x64xf32, #tpu.memory_space<vmem_shared>>) offsets(%dma_start3A_202 : memref<80xi32, #tpu.memory_space<vmem>>) semaphore(%arg24 : memref<!tpu.dma_semaphore, #tpu.memory_space<semaphore_mem>>) {add = true}
    }
    %scan3A_48 = arith.constant 50 : i32
    %dma_wait3A = arith.constant 0 : i32
    %dma_wait3A_49 = arith.constant 0 : i32
    %dma_wait3A_50 = tpu.memref_slice %arg7[%dma_wait3A, %dma_wait3A_49] : memref<10240x64xf32, #tpu.memory_space<vmem_shared>> -> memref<80x64xf32, #tpu.memory_space<vmem_shared>>
    %dma_wait3A_51 = arith.constant 0 : i32
    %dma_wait3A_52 = arith.constant 0 : i32
    %dma_wait3A_53 = tpu.memref_slice %arg7[%dma_wait3A_51, %dma_wait3A_52] : memref<10240x64xf32, #tpu.memory_space<vmem_shared>> -> memref<80x64xf32, #tpu.memory_space<vmem_shared>>
    tpu.wait_dma2 semaphore(%arg24 : memref<!tpu.dma_semaphore, #tpu.memory_space<semaphore_mem>>) src(%arg14 : memref<80x64xf32, #tpu.memory_space<vmem>>) dst(%dma_wait3A_53 : memref<80x64xf32, #tpu.memory_space<vmem_shared>>)
    %barrier3A_54 = arith.constant 0 : index
    tpu.barrier barrier_id(%barrier3A_54)
    "tpu.region"() ({
      %run_scoped3A = tpu.sem_alloc : memref<!tpu.dma_semaphore, #tpu.memory_space<semaphore_mem>>
      %dma_start3A_55 = arith.constant 0 : i32
      %dma_start3A_56 = tpu.memref_slice %arg6[%arg0, %mul3A_0, %dma_start3A_55] : memref<2x10240x64xf32, #tpu.memory_space<hbm>> -> memref<1x640x64xf32, #tpu.memory_space<hbm>>
      %dma_start3A_57 = tpu.memref_squeeze %dma_start3A_56 : memref<1x640x64xf32, #tpu.memory_space<hbm>> -> memref<640x64xf32, #tpu.memory_space<hbm>>
      %dma_start3A_58 = arith.constant 0 : i32
      %dma_start3A_59 = tpu.memref_slice %arg7[%mul3A_0, %dma_start3A_58] : memref<10240x64xf32, #tpu.memory_space<vmem_shared>> -> memref<640x64xf32, #tpu.memory_space<vmem_shared>>
      tpu.enqueue_dma source(%dma_start3A_59 : memref<640x64xf32, #tpu.memory_space<vmem_shared>>) target(%dma_start3A_57 : memref<640x64xf32, #tpu.memory_space<hbm>>) target_semaphore(%run_scoped3A : memref<!tpu.dma_semaphore, #tpu.memory_space<semaphore_mem>>)
      %dma_wait3A_60 = arith.constant 0 : i32
      %dma_wait3A_61 = tpu.memref_slice %arg6[%arg0, %mul3A_0, %dma_wait3A_60] : memref<2x10240x64xf32, #tpu.memory_space<hbm>> -> memref<1x640x64xf32, #tpu.memory_space<hbm>>
      %dma_wait3A_62 = tpu.memref_squeeze %dma_wait3A_61 : memref<1x640x64xf32, #tpu.memory_space<hbm>> -> memref<640x64xf32, #tpu.memory_space<hbm>>
      %dma_wait3A_63 = arith.constant 0 : i32
      %dma_wait3A_64 = tpu.memref_slice %arg7[%mul3A_0, %dma_wait3A_63] : memref<10240x64xf32, #tpu.memory_space<vmem_shared>> -> memref<640x64xf32, #tpu.memory_space<vmem_shared>>
      tpu.wait_dma2 semaphore(%run_scoped3A : memref<!tpu.dma_semaphore, #tpu.memory_space<semaphore_mem>>) src(%dma_wait3A_64 : memref<640x64xf32, #tpu.memory_space<vmem_shared>>) dst(%dma_wait3A_62 : memref<640x64xf32, #tpu.memory_space<hbm>>)
      tpu.yield
    }) : () -> ()
    return
  }
}

#map = affine_map<(d0, d1) -> (0, 0, 0, 0)>
#map1 = affine_map<(d0, d1) -> (0, 0)>
#map2 = affine_map<(d0, d1) -> (0, 0, 0)>
module attributes {stable_mosaic.version = 14 : i64} {
  func.func @_sc_degrees(%arg0: i32, %arg1: i32, %arg2: memref<2x16x250x80xi32, #tpu.memory_space<hbm>>, %arg3: memref<80x16xf32, #tpu.memory_space<hbm>>, %arg4: memref<10240x16xf32, #tpu.memory_space<hbm>>, %arg5: memref<2x10240x16xf32, #tpu.memory_space<hbm>>, %arg6: memref<10240x16xf32, #tpu.memory_space<vmem_shared>>, %arg7: memref<250x80xi32, #tpu.memory_space<vmem>>, %arg8: memref<80x16xf32, #tpu.memory_space<vmem>>) attributes {dimension_semantics = [#tpu.dimension_semantics<core_parallel>, #tpu.dimension_semantics<subcore_parallel>], iteration_bounds = array<i64: 2, 16>, scalar_prefetch = 0 : i64, scratch_operands = 3 : i64, tpu.core_type = #tpu.core_type<sc_vector_subcore>, window_params = [{transform_indices = #map}, {transform_indices = #map1}, {transform_indices = #map1}, {transform_indices = #map2}]} {
    %mul3A = arith.constant 640 : i32
    %mul3A_0 = arith.muli %arg1, %mul3A : i32
    "tpu.region"() ({
      %run_scoped3A = tpu.sem_alloc : memref<!tpu.dma_semaphore, #tpu.memory_space<semaphore_mem>>
      %dma_start3A = arith.constant 0 : i32
      %dma_start3A_7 = tpu.memref_slice %arg6[%mul3A_0, %dma_start3A] : memref<10240x16xf32, #tpu.memory_space<vmem_shared>> -> memref<640x16xf32, #tpu.memory_space<vmem_shared>>
      %dma_start3A_8 = arith.constant 0 : i32
      %dma_start3A_9 = tpu.memref_slice %arg4[%mul3A_0, %dma_start3A_8] : memref<10240x16xf32, #tpu.memory_space<hbm>> -> memref<640x16xf32, #tpu.memory_space<hbm>>
      tpu.enqueue_dma source(%dma_start3A_9 : memref<640x16xf32, #tpu.memory_space<hbm>>) target(%dma_start3A_7 : memref<640x16xf32, #tpu.memory_space<vmem_shared>>) target_semaphore(%run_scoped3A : memref<!tpu.dma_semaphore, #tpu.memory_space<semaphore_mem>>)
      %dma_wait3A = arith.constant 0 : i32
      %dma_wait3A_10 = tpu.memref_slice %arg6[%mul3A_0, %dma_wait3A] : memref<10240x16xf32, #tpu.memory_space<vmem_shared>> -> memref<640x16xf32, #tpu.memory_space<vmem_shared>>
      %dma_wait3A_11 = arith.constant 0 : i32
      %dma_wait3A_12 = tpu.memref_slice %arg4[%mul3A_0, %dma_wait3A_11] : memref<10240x16xf32, #tpu.memory_space<hbm>> -> memref<640x16xf32, #tpu.memory_space<hbm>>
      tpu.wait_dma2 semaphore(%run_scoped3A : memref<!tpu.dma_semaphore, #tpu.memory_space<semaphore_mem>>) src(%dma_wait3A_12 : memref<640x16xf32, #tpu.memory_space<hbm>>) dst(%dma_wait3A_10 : memref<640x16xf32, #tpu.memory_space<vmem_shared>>)
      tpu.yield
    }) : () -> ()
    "tpu.region"() ({
      %run_scoped3A = tpu.sem_alloc : memref<!tpu.dma_semaphore, #tpu.memory_space<semaphore_mem>>
      %dma_start3A = arith.constant 0 : i32
      %dma_start3A_7 = arith.constant 0 : i32
      %dma_start3A_8 = tpu.memref_slice %arg2[%arg0, %arg1, %dma_start3A, %dma_start3A_7] : memref<2x16x250x80xi32, #tpu.memory_space<hbm>> -> memref<1x1x250x80xi32, #tpu.memory_space<hbm>>
      %dma_start3A_9 = tpu.memref_squeeze %dma_start3A_8 : memref<1x1x250x80xi32, #tpu.memory_space<hbm>> -> memref<250x80xi32, #tpu.memory_space<hbm>>
      %dma_start3A_10 = arith.constant 0 : i32
      %dma_start3A_11 = arith.constant 0 : i32
      %dma_start3A_12 = tpu.memref_slice %arg2[%arg0, %arg1, %dma_start3A_10, %dma_start3A_11] : memref<2x16x250x80xi32, #tpu.memory_space<hbm>> -> memref<1x1x250x80xi32, #tpu.memory_space<hbm>>
      %dma_start3A_13 = tpu.memref_squeeze %dma_start3A_12 : memref<1x1x250x80xi32, #tpu.memory_space<hbm>> -> memref<250x80xi32, #tpu.memory_space<hbm>>
      tpu.enqueue_dma source(%dma_start3A_13 : memref<250x80xi32, #tpu.memory_space<hbm>>) target(%arg7 : memref<250x80xi32, #tpu.memory_space<vmem>>) target_semaphore(%run_scoped3A : memref<!tpu.dma_semaphore, #tpu.memory_space<semaphore_mem>>)
      %dma_wait3A = arith.constant 0 : i32
      %dma_wait3A_14 = arith.constant 0 : i32
      %dma_wait3A_15 = tpu.memref_slice %arg2[%arg0, %arg1, %dma_wait3A, %dma_wait3A_14] : memref<2x16x250x80xi32, #tpu.memory_space<hbm>> -> memref<1x1x250x80xi32, #tpu.memory_space<hbm>>
      %dma_wait3A_16 = tpu.memref_squeeze %dma_wait3A_15 : memref<1x1x250x80xi32, #tpu.memory_space<hbm>> -> memref<250x80xi32, #tpu.memory_space<hbm>>
      %dma_wait3A_17 = arith.constant 0 : i32
      %dma_wait3A_18 = arith.constant 0 : i32
      %dma_wait3A_19 = tpu.memref_slice %arg2[%arg0, %arg1, %dma_wait3A_17, %dma_wait3A_18] : memref<2x16x250x80xi32, #tpu.memory_space<hbm>> -> memref<1x1x250x80xi32, #tpu.memory_space<hbm>>
      %dma_wait3A_20 = tpu.memref_squeeze %dma_wait3A_19 : memref<1x1x250x80xi32, #tpu.memory_space<hbm>> -> memref<250x80xi32, #tpu.memory_space<hbm>>
      tpu.wait_dma2 semaphore(%run_scoped3A : memref<!tpu.dma_semaphore, #tpu.memory_space<semaphore_mem>>) src(%dma_wait3A_20 : memref<250x80xi32, #tpu.memory_space<hbm>>) dst(%arg7 : memref<250x80xi32, #tpu.memory_space<vmem>>)
      tpu.yield
    }) : () -> ()
    "tpu.region"() ({
      %run_scoped3A = tpu.sem_alloc : memref<!tpu.dma_semaphore, #tpu.memory_space<semaphore_mem>>
      tpu.enqueue_dma source(%arg3 : memref<80x16xf32, #tpu.memory_space<hbm>>) target(%arg8 : memref<80x16xf32, #tpu.memory_space<vmem>>) target_semaphore(%run_scoped3A : memref<!tpu.dma_semaphore, #tpu.memory_space<semaphore_mem>>)
      tpu.wait_dma2 semaphore(%run_scoped3A : memref<!tpu.dma_semaphore, #tpu.memory_space<semaphore_mem>>) src(%arg3 : memref<80x16xf32, #tpu.memory_space<hbm>>) dst(%arg8 : memref<80x16xf32, #tpu.memory_space<vmem>>)
      tpu.yield
    }) : () -> ()
    %barrier3A = arith.constant 0 : index
    tpu.barrier barrier_id(%barrier3A)
    %scan3A = arith.constant 0 : i32
    %scan3A_1 = arith.constant 0 : i32
    %scan3A_2 = arith.constant 250 : i32
    %scan3A_3 = arith.addi %scan3A_1, %scan3A_2 : i32
    %scan3A_4 = arith.constant 1 : i32
    scf.for %scan3A_7 = %scan3A_1 to %scan3A_3 step %scan3A_4  : i32 {
      "tpu.region"() ({
        %run_scoped3A = tpu.sem_alloc : memref<!tpu.dma_semaphore, #tpu.memory_space<semaphore_mem>>
        %dma_start3A = arith.constant 0 : i32
        %dma_start3A_8 = tpu.memref_slice %arg7[%scan3A_7, %dma_start3A] : memref<250x80xi32, #tpu.memory_space<vmem>> -> memref<1x80xi32, #tpu.memory_space<vmem>>
        %dma_start3A_9 = tpu.memref_squeeze %dma_start3A_8 : memref<1x80xi32, #tpu.memory_space<vmem>> -> memref<80xi32, #tpu.memory_space<vmem>>
        %dma_start3A_10 = arith.constant 0 : i32
        %dma_start3A_11 = arith.constant 0 : i32
        %dma_start3A_12 = tpu.memref_slice %arg6[%dma_start3A_10, %dma_start3A_11] : memref<10240x16xf32, #tpu.memory_space<vmem_shared>> -> memref<10240x16xf32, #tpu.memory_space<vmem_shared>>
        tpu.enqueue_indirect_dma source(%arg8 : memref<80x16xf32, #tpu.memory_space<vmem>>) target(%dma_start3A_12 : memref<10240x16xf32, #tpu.memory_space<vmem_shared>>) offsets(%dma_start3A_9 : memref<80xi32, #tpu.memory_space<vmem>>) semaphore(%run_scoped3A : memref<!tpu.dma_semaphore, #tpu.memory_space<semaphore_mem>>) {add = true}
        %dma_wait3A = arith.constant 0 : i32
        %dma_wait3A_13 = tpu.memref_slice %arg7[%scan3A_7, %dma_wait3A] : memref<250x80xi32, #tpu.memory_space<vmem>> -> memref<1x80xi32, #tpu.memory_space<vmem>>
        %dma_wait3A_14 = tpu.memref_squeeze %dma_wait3A_13 : memref<1x80xi32, #tpu.memory_space<vmem>> -> memref<80xi32, #tpu.memory_space<vmem>>
        %dma_wait3A_15 = arith.constant 0 : i32
        %dma_wait3A_16 = arith.constant 0 : i32
        %dma_wait3A_17 = tpu.memref_slice %arg6[%dma_wait3A_15, %dma_wait3A_16] : memref<10240x16xf32, #tpu.memory_space<vmem_shared>> -> memref<10240x16xf32, #tpu.memory_space<vmem_shared>>
        tpu.wait_indirect_dma semaphore(%run_scoped3A : memref<!tpu.dma_semaphore, #tpu.memory_space<semaphore_mem>>) src(%arg8 : memref<80x16xf32, #tpu.memory_space<vmem>>) dst(%dma_wait3A_17 : memref<10240x16xf32, #tpu.memory_space<vmem_shared>>)
        tpu.yield
      }) : () -> ()
    }
    %scan3A_5 = arith.constant 250 : i32
    %barrier3A_6 = arith.constant 0 : index
    tpu.barrier barrier_id(%barrier3A_6)
    "tpu.region"() ({
      %run_scoped3A = tpu.sem_alloc : memref<!tpu.dma_semaphore, #tpu.memory_space<semaphore_mem>>
      %dma_start3A = arith.constant 0 : i32
      %dma_start3A_7 = tpu.memref_slice %arg5[%arg0, %mul3A_0, %dma_start3A] : memref<2x10240x16xf32, #tpu.memory_space<hbm>> -> memref<1x640x16xf32, #tpu.memory_space<hbm>>
      %dma_start3A_8 = tpu.memref_squeeze %dma_start3A_7 : memref<1x640x16xf32, #tpu.memory_space<hbm>> -> memref<640x16xf32, #tpu.memory_space<hbm>>
      %dma_start3A_9 = arith.constant 0 : i32
      %dma_start3A_10 = tpu.memref_slice %arg6[%mul3A_0, %dma_start3A_9] : memref<10240x16xf32, #tpu.memory_space<vmem_shared>> -> memref<640x16xf32, #tpu.memory_space<vmem_shared>>
      tpu.enqueue_dma source(%dma_start3A_10 : memref<640x16xf32, #tpu.memory_space<vmem_shared>>) target(%dma_start3A_8 : memref<640x16xf32, #tpu.memory_space<hbm>>) target_semaphore(%run_scoped3A : memref<!tpu.dma_semaphore, #tpu.memory_space<semaphore_mem>>)
      %dma_wait3A = arith.constant 0 : i32
      %dma_wait3A_11 = tpu.memref_slice %arg5[%arg0, %mul3A_0, %dma_wait3A] : memref<2x10240x16xf32, #tpu.memory_space<hbm>> -> memref<1x640x16xf32, #tpu.memory_space<hbm>>
      %dma_wait3A_12 = tpu.memref_squeeze %dma_wait3A_11 : memref<1x640x16xf32, #tpu.memory_space<hbm>> -> memref<640x16xf32, #tpu.memory_space<hbm>>
      %dma_wait3A_13 = arith.constant 0 : i32
      %dma_wait3A_14 = tpu.memref_slice %arg6[%mul3A_0, %dma_wait3A_13] : memref<10240x16xf32, #tpu.memory_space<vmem_shared>> -> memref<640x16xf32, #tpu.memory_space<vmem_shared>>
      tpu.wait_dma2 semaphore(%run_scoped3A : memref<!tpu.dma_semaphore, #tpu.memory_space<semaphore_mem>>) src(%dma_wait3A_14 : memref<640x16xf32, #tpu.memory_space<vmem_shared>>) dst(%dma_wait3A_12 : memref<640x16xf32, #tpu.memory_space<hbm>>)
      tpu.yield
    }) : () -> ()
    return
  }
}

#map = affine_map<(d0, d1) -> (0, 0, 0)>
#map1 = affine_map<(d0, d1) -> (0, 0)>
module attributes {stable_mosaic.version = 14 : i64} {
  func.func @_sc_spmm(%arg0: i32, %arg1: i32, %arg2: memref<2x10240x32xf32, #tpu.memory_space<hbm>>, %arg3: memref<16x250x80xi32, #tpu.memory_space<hbm>>, %arg4: memref<16x250x80xi32, #tpu.memory_space<hbm>>, %arg5: memref<10240x32xf32, #tpu.memory_space<hbm>>, %arg6: memref<2x10240x32xf32, #tpu.memory_space<hbm>>, %arg7: memref<10240x32xf32, #tpu.memory_space<vmem_shared>>, %arg8: memref<250x80xi32, #tpu.memory_space<vmem>>, %arg9: memref<250x80xi32, #tpu.memory_space<vmem>>, %arg10: memref<80x32xf32, #tpu.memory_space<vmem>>, %arg11: memref<80x32xf32, #tpu.memory_space<vmem>>, %arg12: memref<80x32xf32, #tpu.memory_space<vmem>>, %arg13: memref<80x32xf32, #tpu.memory_space<vmem>>, %arg14: memref<80x32xf32, #tpu.memory_space<vmem>>, %arg15: memref<!tpu.dma_semaphore, #tpu.memory_space<semaphore_mem>>, %arg16: memref<!tpu.dma_semaphore, #tpu.memory_space<semaphore_mem>>, %arg17: memref<!tpu.dma_semaphore, #tpu.memory_space<semaphore_mem>>, %arg18: memref<!tpu.dma_semaphore, #tpu.memory_space<semaphore_mem>>, %arg19: memref<!tpu.dma_semaphore, #tpu.memory_space<semaphore_mem>>, %arg20: memref<!tpu.dma_semaphore, #tpu.memory_space<semaphore_mem>>, %arg21: memref<!tpu.dma_semaphore, #tpu.memory_space<semaphore_mem>>, %arg22: memref<!tpu.dma_semaphore, #tpu.memory_space<semaphore_mem>>, %arg23: memref<!tpu.dma_semaphore, #tpu.memory_space<semaphore_mem>>, %arg24: memref<!tpu.dma_semaphore, #tpu.memory_space<semaphore_mem>>) attributes {dimension_semantics = [#tpu.dimension_semantics<core_parallel>, #tpu.dimension_semantics<subcore_parallel>], iteration_bounds = array<i64: 2, 16>, scalar_prefetch = 0 : i64, scratch_operands = 18 : i64, tpu.core_type = #tpu.core_type<sc_vector_subcore>, window_params = [{transform_indices = #map}, {transform_indices = #map}, {transform_indices = #map}, {transform_indices = #map1}, {transform_indices = #map}]} {
    %mul3A = arith.constant 640 : i32
    %mul3A_0 = arith.muli %arg1, %mul3A : i32
    "tpu.region"() ({
      %run_scoped3A = tpu.sem_alloc : memref<!tpu.dma_semaphore, #tpu.memory_space<semaphore_mem>>
      %dma_start3A_55 = arith.constant 0 : i32
      %dma_start3A_56 = tpu.memref_slice %arg7[%mul3A_0, %dma_start3A_55] : memref<10240x32xf32, #tpu.memory_space<vmem_shared>> -> memref<640x32xf32, #tpu.memory_space<vmem_shared>>
      %dma_start3A_57 = arith.constant 0 : i32
      %dma_start3A_58 = tpu.memref_slice %arg5[%mul3A_0, %dma_start3A_57] : memref<10240x32xf32, #tpu.memory_space<hbm>> -> memref<640x32xf32, #tpu.memory_space<hbm>>
      tpu.enqueue_dma source(%dma_start3A_58 : memref<640x32xf32, #tpu.memory_space<hbm>>) target(%dma_start3A_56 : memref<640x32xf32, #tpu.memory_space<vmem_shared>>) target_semaphore(%run_scoped3A : memref<!tpu.dma_semaphore, #tpu.memory_space<semaphore_mem>>)
      %dma_wait3A_59 = arith.constant 0 : i32
      %dma_wait3A_60 = tpu.memref_slice %arg7[%mul3A_0, %dma_wait3A_59] : memref<10240x32xf32, #tpu.memory_space<vmem_shared>> -> memref<640x32xf32, #tpu.memory_space<vmem_shared>>
      %dma_wait3A_61 = arith.constant 0 : i32
      %dma_wait3A_62 = tpu.memref_slice %arg5[%mul3A_0, %dma_wait3A_61] : memref<10240x32xf32, #tpu.memory_space<hbm>> -> memref<640x32xf32, #tpu.memory_space<hbm>>
      tpu.wait_dma2 semaphore(%run_scoped3A : memref<!tpu.dma_semaphore, #tpu.memory_space<semaphore_mem>>) src(%dma_wait3A_62 : memref<640x32xf32, #tpu.memory_space<hbm>>) dst(%dma_wait3A_60 : memref<640x32xf32, #tpu.memory_space<vmem_shared>>)
      tpu.yield
    }) : () -> ()
    "tpu.region"() ({
      %run_scoped3A = tpu.sem_alloc : memref<!tpu.dma_semaphore, #tpu.memory_space<semaphore_mem>>
      %dma_start3A_55 = arith.constant 0 : i32
      %dma_start3A_56 = arith.constant 0 : i32
      %dma_start3A_57 = tpu.memref_slice %arg3[%arg1, %dma_start3A_55, %dma_start3A_56] : memref<16x250x80xi32, #tpu.memory_space<hbm>> -> memref<1x250x80xi32, #tpu.memory_space<hbm>>
      %dma_start3A_58 = tpu.memref_squeeze %dma_start3A_57 : memref<1x250x80xi32, #tpu.memory_space<hbm>> -> memref<250x80xi32, #tpu.memory_space<hbm>>
      %dma_start3A_59 = arith.constant 0 : i32
      %dma_start3A_60 = arith.constant 0 : i32
      %dma_start3A_61 = tpu.memref_slice %arg3[%arg1, %dma_start3A_59, %dma_start3A_60] : memref<16x250x80xi32, #tpu.memory_space<hbm>> -> memref<1x250x80xi32, #tpu.memory_space<hbm>>
      %dma_start3A_62 = tpu.memref_squeeze %dma_start3A_61 : memref<1x250x80xi32, #tpu.memory_space<hbm>> -> memref<250x80xi32, #tpu.memory_space<hbm>>
      tpu.enqueue_dma source(%dma_start3A_62 : memref<250x80xi32, #tpu.memory_space<hbm>>) target(%arg8 : memref<250x80xi32, #tpu.memory_space<vmem>>) target_semaphore(%run_scoped3A : memref<!tpu.dma_semaphore, #tpu.memory_space<semaphore_mem>>)
      %dma_wait3A_63 = arith.constant 0 : i32
      %dma_wait3A_64 = arith.constant 0 : i32
      %dma_wait3A_65 = tpu.memref_slice %arg3[%arg1, %dma_wait3A_63, %dma_wait3A_64] : memref<16x250x80xi32, #tpu.memory_space<hbm>> -> memref<1x250x80xi32, #tpu.memory_space<hbm>>
      %dma_wait3A_66 = tpu.memref_squeeze %dma_wait3A_65 : memref<1x250x80xi32, #tpu.memory_space<hbm>> -> memref<250x80xi32, #tpu.memory_space<hbm>>
      %dma_wait3A_67 = arith.constant 0 : i32
      %dma_wait3A_68 = arith.constant 0 : i32
      %dma_wait3A_69 = tpu.memref_slice %arg3[%arg1, %dma_wait3A_67, %dma_wait3A_68] : memref<16x250x80xi32, #tpu.memory_space<hbm>> -> memref<1x250x80xi32, #tpu.memory_space<hbm>>
      %dma_wait3A_70 = tpu.memref_squeeze %dma_wait3A_69 : memref<1x250x80xi32, #tpu.memory_space<hbm>> -> memref<250x80xi32, #tpu.memory_space<hbm>>
      tpu.wait_dma2 semaphore(%run_scoped3A : memref<!tpu.dma_semaphore, #tpu.memory_space<semaphore_mem>>) src(%dma_wait3A_70 : memref<250x80xi32, #tpu.memory_space<hbm>>) dst(%arg8 : memref<250x80xi32, #tpu.memory_space<vmem>>)
      tpu.yield
    }) : () -> ()
    "tpu.region"() ({
      %run_scoped3A = tpu.sem_alloc : memref<!tpu.dma_semaphore, #tpu.memory_space<semaphore_mem>>
      %dma_start3A_55 = arith.constant 0 : i32
      %dma_start3A_56 = arith.constant 0 : i32
      %dma_start3A_57 = tpu.memref_slice %arg4[%arg1, %dma_start3A_55, %dma_start3A_56] : memref<16x250x80xi32, #tpu.memory_space<hbm>> -> memref<1x250x80xi32, #tpu.memory_space<hbm>>
      %dma_start3A_58 = tpu.memref_squeeze %dma_start3A_57 : memref<1x250x80xi32, #tpu.memory_space<hbm>> -> memref<250x80xi32, #tpu.memory_space<hbm>>
      %dma_start3A_59 = arith.constant 0 : i32
      %dma_start3A_60 = arith.constant 0 : i32
      %dma_start3A_61 = tpu.memref_slice %arg4[%arg1, %dma_start3A_59, %dma_start3A_60] : memref<16x250x80xi32, #tpu.memory_space<hbm>> -> memref<1x250x80xi32, #tpu.memory_space<hbm>>
      %dma_start3A_62 = tpu.memref_squeeze %dma_start3A_61 : memref<1x250x80xi32, #tpu.memory_space<hbm>> -> memref<250x80xi32, #tpu.memory_space<hbm>>
      tpu.enqueue_dma source(%dma_start3A_62 : memref<250x80xi32, #tpu.memory_space<hbm>>) target(%arg9 : memref<250x80xi32, #tpu.memory_space<vmem>>) target_semaphore(%run_scoped3A : memref<!tpu.dma_semaphore, #tpu.memory_space<semaphore_mem>>)
      %dma_wait3A_63 = arith.constant 0 : i32
      %dma_wait3A_64 = arith.constant 0 : i32
      %dma_wait3A_65 = tpu.memref_slice %arg4[%arg1, %dma_wait3A_63, %dma_wait3A_64] : memref<16x250x80xi32, #tpu.memory_space<hbm>> -> memref<1x250x80xi32, #tpu.memory_space<hbm>>
      %dma_wait3A_66 = tpu.memref_squeeze %dma_wait3A_65 : memref<1x250x80xi32, #tpu.memory_space<hbm>> -> memref<250x80xi32, #tpu.memory_space<hbm>>
      %dma_wait3A_67 = arith.constant 0 : i32
      %dma_wait3A_68 = arith.constant 0 : i32
      %dma_wait3A_69 = tpu.memref_slice %arg4[%arg1, %dma_wait3A_67, %dma_wait3A_68] : memref<16x250x80xi32, #tpu.memory_space<hbm>> -> memref<1x250x80xi32, #tpu.memory_space<hbm>>
      %dma_wait3A_70 = tpu.memref_squeeze %dma_wait3A_69 : memref<1x250x80xi32, #tpu.memory_space<hbm>> -> memref<250x80xi32, #tpu.memory_space<hbm>>
      tpu.wait_dma2 semaphore(%run_scoped3A : memref<!tpu.dma_semaphore, #tpu.memory_space<semaphore_mem>>) src(%dma_wait3A_70 : memref<250x80xi32, #tpu.memory_space<hbm>>) dst(%arg9 : memref<250x80xi32, #tpu.memory_space<vmem>>)
      tpu.yield
    }) : () -> ()
    %barrier3A = arith.constant 0 : index
    tpu.barrier barrier_id(%barrier3A)
    %dma_start3A = arith.constant 0 : i32
    %dma_start3A_1 = arith.constant 0 : i32
    %dma_start3A_2 = tpu.memref_slice %arg8[%dma_start3A, %dma_start3A_1] : memref<250x80xi32, #tpu.memory_space<vmem>> -> memref<1x80xi32, #tpu.memory_space<vmem>>
    %dma_start3A_3 = tpu.memref_squeeze %dma_start3A_2 : memref<1x80xi32, #tpu.memory_space<vmem>> -> memref<80xi32, #tpu.memory_space<vmem>>
    %dma_start3A_4 = arith.constant 0 : i32
    %dma_start3A_5 = arith.constant 0 : i32
    %dma_start3A_6 = tpu.memref_slice %arg2[%arg0, %dma_start3A_4, %dma_start3A_5] : memref<2x10240x32xf32, #tpu.memory_space<hbm>> -> memref<1x10240x32xf32, #tpu.memory_space<hbm>>
    %dma_start3A_7 = tpu.memref_squeeze %dma_start3A_6 : memref<1x10240x32xf32, #tpu.memory_space<hbm>> -> memref<10240x32xf32, #tpu.memory_space<hbm>>
    %dma_start3A_8 = arith.constant 0 : i32
    %dma_start3A_9 = arith.constant 0 : i32
    %dma_start3A_10 = tpu.memref_slice %dma_start3A_7[%dma_start3A_8, %dma_start3A_9] : memref<10240x32xf32, #tpu.memory_space<hbm>> -> memref<10240x32xf32, #tpu.memory_space<hbm>>
    tpu.enqueue_indirect_dma source(%dma_start3A_10 : memref<10240x32xf32, #tpu.memory_space<hbm>>) target(%arg10 : memref<80x32xf32, #tpu.memory_space<vmem>>) offsets(%dma_start3A_3 : memref<80xi32, #tpu.memory_space<vmem>>) semaphore(%arg15 : memref<!tpu.dma_semaphore, #tpu.memory_space<semaphore_mem>>)
    %dma_start3A_11 = arith.constant 1 : i32
    %dma_start3A_12 = arith.constant 0 : i32
    %dma_start3A_13 = tpu.memref_slice %arg8[%dma_start3A_11, %dma_start3A_12] : memref<250x80xi32, #tpu.memory_space<vmem>> -> memref<1x80xi32, #tpu.memory_space<vmem>>
    %dma_start3A_14 = tpu.memref_squeeze %dma_start3A_13 : memref<1x80xi32, #tpu.memory_space<vmem>> -> memref<80xi32, #tpu.memory_space<vmem>>
    %dma_start3A_15 = arith.constant 0 : i32
    %dma_start3A_16 = arith.constant 0 : i32
    %dma_start3A_17 = tpu.memref_slice %arg2[%arg0, %dma_start3A_15, %dma_start3A_16] : memref<2x10240x32xf32, #tpu.memory_space<hbm>> -> memref<1x10240x32xf32, #tpu.memory_space<hbm>>
    %dma_start3A_18 = tpu.memref_squeeze %dma_start3A_17 : memref<1x10240x32xf32, #tpu.memory_space<hbm>> -> memref<10240x32xf32, #tpu.memory_space<hbm>>
    %dma_start3A_19 = arith.constant 0 : i32
    %dma_start3A_20 = arith.constant 0 : i32
    %dma_start3A_21 = tpu.memref_slice %dma_start3A_18[%dma_start3A_19, %dma_start3A_20] : memref<10240x32xf32, #tpu.memory_space<hbm>> -> memref<10240x32xf32, #tpu.memory_space<hbm>>
    tpu.enqueue_indirect_dma source(%dma_start3A_21 : memref<10240x32xf32, #tpu.memory_space<hbm>>) target(%arg11 : memref<80x32xf32, #tpu.memory_space<vmem>>) offsets(%dma_start3A_14 : memref<80xi32, #tpu.memory_space<vmem>>) semaphore(%arg16 : memref<!tpu.dma_semaphore, #tpu.memory_space<semaphore_mem>>)
    %dma_start3A_22 = arith.constant 2 : i32
    %dma_start3A_23 = arith.constant 0 : i32
    %dma_start3A_24 = tpu.memref_slice %arg8[%dma_start3A_22, %dma_start3A_23] : memref<250x80xi32, #tpu.memory_space<vmem>> -> memref<1x80xi32, #tpu.memory_space<vmem>>
    %dma_start3A_25 = tpu.memref_squeeze %dma_start3A_24 : memref<1x80xi32, #tpu.memory_space<vmem>> -> memref<80xi32, #tpu.memory_space<vmem>>
    %dma_start3A_26 = arith.constant 0 : i32
    %dma_start3A_27 = arith.constant 0 : i32
    %dma_start3A_28 = tpu.memref_slice %arg2[%arg0, %dma_start3A_26, %dma_start3A_27] : memref<2x10240x32xf32, #tpu.memory_space<hbm>> -> memref<1x10240x32xf32, #tpu.memory_space<hbm>>
    %dma_start3A_29 = tpu.memref_squeeze %dma_start3A_28 : memref<1x10240x32xf32, #tpu.memory_space<hbm>> -> memref<10240x32xf32, #tpu.memory_space<hbm>>
    %dma_start3A_30 = arith.constant 0 : i32
    %dma_start3A_31 = arith.constant 0 : i32
    %dma_start3A_32 = tpu.memref_slice %dma_start3A_29[%dma_start3A_30, %dma_start3A_31] : memref<10240x32xf32, #tpu.memory_space<hbm>> -> memref<10240x32xf32, #tpu.memory_space<hbm>>
    tpu.enqueue_indirect_dma source(%dma_start3A_32 : memref<10240x32xf32, #tpu.memory_space<hbm>>) target(%arg12 : memref<80x32xf32, #tpu.memory_space<vmem>>) offsets(%dma_start3A_25 : memref<80xi32, #tpu.memory_space<vmem>>) semaphore(%arg17 : memref<!tpu.dma_semaphore, #tpu.memory_space<semaphore_mem>>)
    %dma_start3A_33 = arith.constant 3 : i32
    %dma_start3A_34 = arith.constant 0 : i32
    %dma_start3A_35 = tpu.memref_slice %arg8[%dma_start3A_33, %dma_start3A_34] : memref<250x80xi32, #tpu.memory_space<vmem>> -> memref<1x80xi32, #tpu.memory_space<vmem>>
    %dma_start3A_36 = tpu.memref_squeeze %dma_start3A_35 : memref<1x80xi32, #tpu.memory_space<vmem>> -> memref<80xi32, #tpu.memory_space<vmem>>
    %dma_start3A_37 = arith.constant 0 : i32
    %dma_start3A_38 = arith.constant 0 : i32
    %dma_start3A_39 = tpu.memref_slice %arg2[%arg0, %dma_start3A_37, %dma_start3A_38] : memref<2x10240x32xf32, #tpu.memory_space<hbm>> -> memref<1x10240x32xf32, #tpu.memory_space<hbm>>
    %dma_start3A_40 = tpu.memref_squeeze %dma_start3A_39 : memref<1x10240x32xf32, #tpu.memory_space<hbm>> -> memref<10240x32xf32, #tpu.memory_space<hbm>>
    %dma_start3A_41 = arith.constant 0 : i32
    %dma_start3A_42 = arith.constant 0 : i32
    %dma_start3A_43 = tpu.memref_slice %dma_start3A_40[%dma_start3A_41, %dma_start3A_42] : memref<10240x32xf32, #tpu.memory_space<hbm>> -> memref<10240x32xf32, #tpu.memory_space<hbm>>
    tpu.enqueue_indirect_dma source(%dma_start3A_43 : memref<10240x32xf32, #tpu.memory_space<hbm>>) target(%arg13 : memref<80x32xf32, #tpu.memory_space<vmem>>) offsets(%dma_start3A_36 : memref<80xi32, #tpu.memory_space<vmem>>) semaphore(%arg18 : memref<!tpu.dma_semaphore, #tpu.memory_space<semaphore_mem>>)
    %scan3A = arith.constant 0 : i32
    %scan3A_44 = arith.constant 0 : i32
    %scan3A_45 = arith.constant 50 : i32
    %scan3A_46 = arith.addi %scan3A_44, %scan3A_45 : i32
    %scan3A_47 = arith.constant 1 : i32
    scf.for %scan3A_55 = %scan3A_44 to %scan3A_46 step %scan3A_47  : i32 {
      %mul3A_56 = arith.constant 5 : i32
      %mul3A_57 = arith.muli %scan3A_55, %mul3A_56 : i32
      %add3A = arith.constant 0 : i32
      %add3A_58 = arith.addi %mul3A_57, %add3A : i32
      %ge3A = arith.constant 1 : i32
      %ge3A_59 = arith.cmpi sge, %add3A_58, %ge3A : i32
      %convert_element_type3A = arith.extui %ge3A_59 : i1 to i32
      %cond3A = arith.constant 0 : i32
      %cond3A_60 = arith.cmpi ne, %convert_element_type3A, %cond3A : i32
      scf.if %cond3A_60 {
        %dma_wait3A_206 = arith.constant 0 : i32
        %dma_wait3A_207 = arith.constant 0 : i32
        %dma_wait3A_208 = tpu.memref_slice %arg7[%dma_wait3A_206, %dma_wait3A_207] : memref<10240x32xf32, #tpu.memory_space<vmem_shared>> -> memref<80x32xf32, #tpu.memory_space<vmem_shared>>
        %dma_wait3A_209 = arith.constant 0 : i32
        %dma_wait3A_210 = arith.constant 0 : i32
        %dma_wait3A_211 = tpu.memref_slice %arg7[%dma_wait3A_209, %dma_wait3A_210] : memref<10240x32xf32, #tpu.memory_space<vmem_shared>> -> memref<80x32xf32, #tpu.memory_space<vmem_shared>>
        tpu.wait_dma2 semaphore(%arg24 : memref<!tpu.dma_semaphore, #tpu.memory_space<semaphore_mem>>) src(%arg14 : memref<80x32xf32, #tpu.memory_space<vmem>>) dst(%dma_wait3A_211 : memref<80x32xf32, #tpu.memory_space<vmem_shared>>)
      } else {
      }
      %lt3A = arith.constant 246 : i32
      %lt3A_61 = arith.cmpi slt, %add3A_58, %lt3A : i32
      %convert_element_type3A_62 = arith.extui %lt3A_61 : i1 to i32
      %cond3A_63 = arith.constant 0 : i32
      %cond3A_64 = arith.cmpi ne, %convert_element_type3A_62, %cond3A_63 : i32
      scf.if %cond3A_64 {
        %add3A_206 = arith.constant 5 : i32
        %add3A_207 = arith.addi %add3A_58, %add3A_206 : i32
        %sub3A = arith.constant 1 : i32
        %sub3A_208 = arith.subi %add3A_207, %sub3A : i32
        %dma_start3A_209 = arith.constant 0 : i32
        %dma_start3A_210 = tpu.memref_slice %arg8[%sub3A_208, %dma_start3A_209] : memref<250x80xi32, #tpu.memory_space<vmem>> -> memref<1x80xi32, #tpu.memory_space<vmem>>
        %dma_start3A_211 = tpu.memref_squeeze %dma_start3A_210 : memref<1x80xi32, #tpu.memory_space<vmem>> -> memref<80xi32, #tpu.memory_space<vmem>>
        %dma_start3A_212 = arith.constant 0 : i32
        %dma_start3A_213 = arith.constant 0 : i32
        %dma_start3A_214 = tpu.memref_slice %arg2[%arg0, %dma_start3A_212, %dma_start3A_213] : memref<2x10240x32xf32, #tpu.memory_space<hbm>> -> memref<1x10240x32xf32, #tpu.memory_space<hbm>>
        %dma_start3A_215 = tpu.memref_squeeze %dma_start3A_214 : memref<1x10240x32xf32, #tpu.memory_space<hbm>> -> memref<10240x32xf32, #tpu.memory_space<hbm>>
        %dma_start3A_216 = arith.constant 0 : i32
        %dma_start3A_217 = arith.constant 0 : i32
        %dma_start3A_218 = tpu.memref_slice %dma_start3A_215[%dma_start3A_216, %dma_start3A_217] : memref<10240x32xf32, #tpu.memory_space<hbm>> -> memref<10240x32xf32, #tpu.memory_space<hbm>>
        tpu.enqueue_indirect_dma source(%dma_start3A_218 : memref<10240x32xf32, #tpu.memory_space<hbm>>) target(%arg14 : memref<80x32xf32, #tpu.memory_space<vmem>>) offsets(%dma_start3A_211 : memref<80xi32, #tpu.memory_space<vmem>>) semaphore(%arg19 : memref<!tpu.dma_semaphore, #tpu.memory_space<semaphore_mem>>)
      } else {
      }
      %dma_wait3A_65 = arith.constant 0 : i32
      %dma_wait3A_66 = arith.constant 0 : i32
      %dma_wait3A_67 = tpu.memref_slice %arg8[%dma_wait3A_65, %dma_wait3A_66] : memref<250x80xi32, #tpu.memory_space<vmem>> -> memref<1x80xi32, #tpu.memory_space<vmem>>
      %dma_wait3A_68 = tpu.memref_squeeze %dma_wait3A_67 : memref<1x80xi32, #tpu.memory_space<vmem>> -> memref<80xi32, #tpu.memory_space<vmem>>
      %dma_wait3A_69 = arith.constant 0 : i32
      %dma_wait3A_70 = arith.constant 0 : i32
      %dma_wait3A_71 = tpu.memref_slice %arg2[%arg0, %dma_wait3A_69, %dma_wait3A_70] : memref<2x10240x32xf32, #tpu.memory_space<hbm>> -> memref<1x10240x32xf32, #tpu.memory_space<hbm>>
      %dma_wait3A_72 = tpu.memref_squeeze %dma_wait3A_71 : memref<1x10240x32xf32, #tpu.memory_space<hbm>> -> memref<10240x32xf32, #tpu.memory_space<hbm>>
      %dma_wait3A_73 = arith.constant 0 : i32
      %dma_wait3A_74 = arith.constant 0 : i32
      %dma_wait3A_75 = tpu.memref_slice %dma_wait3A_72[%dma_wait3A_73, %dma_wait3A_74] : memref<10240x32xf32, #tpu.memory_space<hbm>> -> memref<10240x32xf32, #tpu.memory_space<hbm>>
      tpu.wait_indirect_dma semaphore(%arg15 : memref<!tpu.dma_semaphore, #tpu.memory_space<semaphore_mem>>) src(%dma_wait3A_75 : memref<10240x32xf32, #tpu.memory_space<hbm>>) dst(%arg10 : memref<80x32xf32, #tpu.memory_space<vmem>>)
      %dma_start3A_76 = arith.constant 0 : i32
      %dma_start3A_77 = tpu.memref_slice %arg9[%add3A_58, %dma_start3A_76] : memref<250x80xi32, #tpu.memory_space<vmem>> -> memref<1x80xi32, #tpu.memory_space<vmem>>
      %dma_start3A_78 = tpu.memref_squeeze %dma_start3A_77 : memref<1x80xi32, #tpu.memory_space<vmem>> -> memref<80xi32, #tpu.memory_space<vmem>>
      %dma_start3A_79 = arith.constant 0 : i32
      %dma_start3A_80 = arith.constant 0 : i32
      %dma_start3A_81 = tpu.memref_slice %arg7[%dma_start3A_79, %dma_start3A_80] : memref<10240x32xf32, #tpu.memory_space<vmem_shared>> -> memref<10240x32xf32, #tpu.memory_space<vmem_shared>>
      tpu.enqueue_indirect_dma source(%arg10 : memref<80x32xf32, #tpu.memory_space<vmem>>) target(%dma_start3A_81 : memref<10240x32xf32, #tpu.memory_space<vmem_shared>>) offsets(%dma_start3A_78 : memref<80xi32, #tpu.memory_space<vmem>>) semaphore(%arg20 : memref<!tpu.dma_semaphore, #tpu.memory_space<semaphore_mem>>) {add = true}
      %mul3A_82 = arith.constant 5 : i32
      %mul3A_83 = arith.muli %scan3A_55, %mul3A_82 : i32
      %add3A_84 = arith.constant 1 : i32
      %add3A_85 = arith.addi %mul3A_83, %add3A_84 : i32
      %ge3A_86 = arith.constant 1 : i32
      %ge3A_87 = arith.cmpi sge, %add3A_85, %ge3A_86 : i32
      %convert_element_type3A_88 = arith.extui %ge3A_87 : i1 to i32
      %cond3A_89 = arith.constant 0 : i32
      %cond3A_90 = arith.cmpi ne, %convert_element_type3A_88, %cond3A_89 : i32
      scf.if %cond3A_90 {
        %dma_wait3A_206 = arith.constant 0 : i32
        %dma_wait3A_207 = arith.constant 0 : i32
        %dma_wait3A_208 = tpu.memref_slice %arg7[%dma_wait3A_206, %dma_wait3A_207] : memref<10240x32xf32, #tpu.memory_space<vmem_shared>> -> memref<80x32xf32, #tpu.memory_space<vmem_shared>>
        %dma_wait3A_209 = arith.constant 0 : i32
        %dma_wait3A_210 = arith.constant 0 : i32
        %dma_wait3A_211 = tpu.memref_slice %arg7[%dma_wait3A_209, %dma_wait3A_210] : memref<10240x32xf32, #tpu.memory_space<vmem_shared>> -> memref<80x32xf32, #tpu.memory_space<vmem_shared>>
        tpu.wait_dma2 semaphore(%arg20 : memref<!tpu.dma_semaphore, #tpu.memory_space<semaphore_mem>>) src(%arg10 : memref<80x32xf32, #tpu.memory_space<vmem>>) dst(%dma_wait3A_211 : memref<80x32xf32, #tpu.memory_space<vmem_shared>>)
      } else {
      }
      %lt3A_91 = arith.constant 246 : i32
      %lt3A_92 = arith.cmpi slt, %add3A_85, %lt3A_91 : i32
      %convert_element_type3A_93 = arith.extui %lt3A_92 : i1 to i32
      %cond3A_94 = arith.constant 0 : i32
      %cond3A_95 = arith.cmpi ne, %convert_element_type3A_93, %cond3A_94 : i32
      scf.if %cond3A_95 {
        %add3A_206 = arith.constant 5 : i32
        %add3A_207 = arith.addi %add3A_85, %add3A_206 : i32
        %sub3A = arith.constant 1 : i32
        %sub3A_208 = arith.subi %add3A_207, %sub3A : i32
        %dma_start3A_209 = arith.constant 0 : i32
        %dma_start3A_210 = tpu.memref_slice %arg8[%sub3A_208, %dma_start3A_209] : memref<250x80xi32, #tpu.memory_space<vmem>> -> memref<1x80xi32, #tpu.memory_space<vmem>>
        %dma_start3A_211 = tpu.memref_squeeze %dma_start3A_210 : memref<1x80xi32, #tpu.memory_space<vmem>> -> memref<80xi32, #tpu.memory_space<vmem>>
        %dma_start3A_212 = arith.constant 0 : i32
        %dma_start3A_213 = arith.constant 0 : i32
        %dma_start3A_214 = tpu.memref_slice %arg2[%arg0, %dma_start3A_212, %dma_start3A_213] : memref<2x10240x32xf32, #tpu.memory_space<hbm>> -> memref<1x10240x32xf32, #tpu.memory_space<hbm>>
        %dma_start3A_215 = tpu.memref_squeeze %dma_start3A_214 : memref<1x10240x32xf32, #tpu.memory_space<hbm>> -> memref<10240x32xf32, #tpu.memory_space<hbm>>
        %dma_start3A_216 = arith.constant 0 : i32
        %dma_start3A_217 = arith.constant 0 : i32
        %dma_start3A_218 = tpu.memref_slice %dma_start3A_215[%dma_start3A_216, %dma_start3A_217] : memref<10240x32xf32, #tpu.memory_space<hbm>> -> memref<10240x32xf32, #tpu.memory_space<hbm>>
        tpu.enqueue_indirect_dma source(%dma_start3A_218 : memref<10240x32xf32, #tpu.memory_space<hbm>>) target(%arg10 : memref<80x32xf32, #tpu.memory_space<vmem>>) offsets(%dma_start3A_211 : memref<80xi32, #tpu.memory_space<vmem>>) semaphore(%arg15 : memref<!tpu.dma_semaphore, #tpu.memory_space<semaphore_mem>>)
      } else {
      }
      %dma_wait3A_96 = arith.constant 0 : i32
      %dma_wait3A_97 = arith.constant 0 : i32
      %dma_wait3A_98 = tpu.memref_slice %arg8[%dma_wait3A_96, %dma_wait3A_97] : memref<250x80xi32, #tpu.memory_space<vmem>> -> memref<1x80xi32, #tpu.memory_space<vmem>>
      %dma_wait3A_99 = tpu.memref_squeeze %dma_wait3A_98 : memref<1x80xi32, #tpu.memory_space<vmem>> -> memref<80xi32, #tpu.memory_space<vmem>>
      %dma_wait3A_100 = arith.constant 0 : i32
      %dma_wait3A_101 = arith.constant 0 : i32
      %dma_wait3A_102 = tpu.memref_slice %arg2[%arg0, %dma_wait3A_100, %dma_wait3A_101] : memref<2x10240x32xf32, #tpu.memory_space<hbm>> -> memref<1x10240x32xf32, #tpu.memory_space<hbm>>
      %dma_wait3A_103 = tpu.memref_squeeze %dma_wait3A_102 : memref<1x10240x32xf32, #tpu.memory_space<hbm>> -> memref<10240x32xf32, #tpu.memory_space<hbm>>
      %dma_wait3A_104 = arith.constant 0 : i32
      %dma_wait3A_105 = arith.constant 0 : i32
      %dma_wait3A_106 = tpu.memref_slice %dma_wait3A_103[%dma_wait3A_104, %dma_wait3A_105] : memref<10240x32xf32, #tpu.memory_space<hbm>> -> memref<10240x32xf32, #tpu.memory_space<hbm>>
      tpu.wait_indirect_dma semaphore(%arg16 : memref<!tpu.dma_semaphore, #tpu.memory_space<semaphore_mem>>) src(%dma_wait3A_106 : memref<10240x32xf32, #tpu.memory_space<hbm>>) dst(%arg11 : memref<80x32xf32, #tpu.memory_space<vmem>>)
      %dma_start3A_107 = arith.constant 0 : i32
      %dma_start3A_108 = tpu.memref_slice %arg9[%add3A_85, %dma_start3A_107] : memref<250x80xi32, #tpu.memory_space<vmem>> -> memref<1x80xi32, #tpu.memory_space<vmem>>
      %dma_start3A_109 = tpu.memref_squeeze %dma_start3A_108 : memref<1x80xi32, #tpu.memory_space<vmem>> -> memref<80xi32, #tpu.memory_space<vmem>>
      %dma_start3A_110 = arith.constant 0 : i32
      %dma_start3A_111 = arith.constant 0 : i32
      %dma_start3A_112 = tpu.memref_slice %arg7[%dma_start3A_110, %dma_start3A_111] : memref<10240x32xf32, #tpu.memory_space<vmem_shared>> -> memref<10240x32xf32, #tpu.memory_space<vmem_shared>>
      tpu.enqueue_indirect_dma source(%arg11 : memref<80x32xf32, #tpu.memory_space<vmem>>) target(%dma_start3A_112 : memref<10240x32xf32, #tpu.memory_space<vmem_shared>>) offsets(%dma_start3A_109 : memref<80xi32, #tpu.memory_space<vmem>>) semaphore(%arg21 : memref<!tpu.dma_semaphore, #tpu.memory_space<semaphore_mem>>) {add = true}
      %mul3A_113 = arith.constant 5 : i32
      %mul3A_114 = arith.muli %scan3A_55, %mul3A_113 : i32
      %add3A_115 = arith.constant 2 : i32
      %add3A_116 = arith.addi %mul3A_114, %add3A_115 : i32
      %ge3A_117 = arith.constant 1 : i32
      %ge3A_118 = arith.cmpi sge, %add3A_116, %ge3A_117 : i32
      %convert_element_type3A_119 = arith.extui %ge3A_118 : i1 to i32
      %cond3A_120 = arith.constant 0 : i32
      %cond3A_121 = arith.cmpi ne, %convert_element_type3A_119, %cond3A_120 : i32
      scf.if %cond3A_121 {
        %dma_wait3A_206 = arith.constant 0 : i32
        %dma_wait3A_207 = arith.constant 0 : i32
        %dma_wait3A_208 = tpu.memref_slice %arg7[%dma_wait3A_206, %dma_wait3A_207] : memref<10240x32xf32, #tpu.memory_space<vmem_shared>> -> memref<80x32xf32, #tpu.memory_space<vmem_shared>>
        %dma_wait3A_209 = arith.constant 0 : i32
        %dma_wait3A_210 = arith.constant 0 : i32
        %dma_wait3A_211 = tpu.memref_slice %arg7[%dma_wait3A_209, %dma_wait3A_210] : memref<10240x32xf32, #tpu.memory_space<vmem_shared>> -> memref<80x32xf32, #tpu.memory_space<vmem_shared>>
        tpu.wait_dma2 semaphore(%arg21 : memref<!tpu.dma_semaphore, #tpu.memory_space<semaphore_mem>>) src(%arg11 : memref<80x32xf32, #tpu.memory_space<vmem>>) dst(%dma_wait3A_211 : memref<80x32xf32, #tpu.memory_space<vmem_shared>>)
      } else {
      }
      %lt3A_122 = arith.constant 246 : i32
      %lt3A_123 = arith.cmpi slt, %add3A_116, %lt3A_122 : i32
      %convert_element_type3A_124 = arith.extui %lt3A_123 : i1 to i32
      %cond3A_125 = arith.constant 0 : i32
      %cond3A_126 = arith.cmpi ne, %convert_element_type3A_124, %cond3A_125 : i32
      scf.if %cond3A_126 {
        %add3A_206 = arith.constant 5 : i32
        %add3A_207 = arith.addi %add3A_116, %add3A_206 : i32
        %sub3A = arith.constant 1 : i32
        %sub3A_208 = arith.subi %add3A_207, %sub3A : i32
        %dma_start3A_209 = arith.constant 0 : i32
        %dma_start3A_210 = tpu.memref_slice %arg8[%sub3A_208, %dma_start3A_209] : memref<250x80xi32, #tpu.memory_space<vmem>> -> memref<1x80xi32, #tpu.memory_space<vmem>>
        %dma_start3A_211 = tpu.memref_squeeze %dma_start3A_210 : memref<1x80xi32, #tpu.memory_space<vmem>> -> memref<80xi32, #tpu.memory_space<vmem>>
        %dma_start3A_212 = arith.constant 0 : i32
        %dma_start3A_213 = arith.constant 0 : i32
        %dma_start3A_214 = tpu.memref_slice %arg2[%arg0, %dma_start3A_212, %dma_start3A_213] : memref<2x10240x32xf32, #tpu.memory_space<hbm>> -> memref<1x10240x32xf32, #tpu.memory_space<hbm>>
        %dma_start3A_215 = tpu.memref_squeeze %dma_start3A_214 : memref<1x10240x32xf32, #tpu.memory_space<hbm>> -> memref<10240x32xf32, #tpu.memory_space<hbm>>
        %dma_start3A_216 = arith.constant 0 : i32
        %dma_start3A_217 = arith.constant 0 : i32
        %dma_start3A_218 = tpu.memref_slice %dma_start3A_215[%dma_start3A_216, %dma_start3A_217] : memref<10240x32xf32, #tpu.memory_space<hbm>> -> memref<10240x32xf32, #tpu.memory_space<hbm>>
        tpu.enqueue_indirect_dma source(%dma_start3A_218 : memref<10240x32xf32, #tpu.memory_space<hbm>>) target(%arg11 : memref<80x32xf32, #tpu.memory_space<vmem>>) offsets(%dma_start3A_211 : memref<80xi32, #tpu.memory_space<vmem>>) semaphore(%arg16 : memref<!tpu.dma_semaphore, #tpu.memory_space<semaphore_mem>>)
      } else {
      }
      %dma_wait3A_127 = arith.constant 0 : i32
      %dma_wait3A_128 = arith.constant 0 : i32
      %dma_wait3A_129 = tpu.memref_slice %arg8[%dma_wait3A_127, %dma_wait3A_128] : memref<250x80xi32, #tpu.memory_space<vmem>> -> memref<1x80xi32, #tpu.memory_space<vmem>>
      %dma_wait3A_130 = tpu.memref_squeeze %dma_wait3A_129 : memref<1x80xi32, #tpu.memory_space<vmem>> -> memref<80xi32, #tpu.memory_space<vmem>>
      %dma_wait3A_131 = arith.constant 0 : i32
      %dma_wait3A_132 = arith.constant 0 : i32
      %dma_wait3A_133 = tpu.memref_slice %arg2[%arg0, %dma_wait3A_131, %dma_wait3A_132] : memref<2x10240x32xf32, #tpu.memory_space<hbm>> -> memref<1x10240x32xf32, #tpu.memory_space<hbm>>
      %dma_wait3A_134 = tpu.memref_squeeze %dma_wait3A_133 : memref<1x10240x32xf32, #tpu.memory_space<hbm>> -> memref<10240x32xf32, #tpu.memory_space<hbm>>
      %dma_wait3A_135 = arith.constant 0 : i32
      %dma_wait3A_136 = arith.constant 0 : i32
      %dma_wait3A_137 = tpu.memref_slice %dma_wait3A_134[%dma_wait3A_135, %dma_wait3A_136] : memref<10240x32xf32, #tpu.memory_space<hbm>> -> memref<10240x32xf32, #tpu.memory_space<hbm>>
      tpu.wait_indirect_dma semaphore(%arg17 : memref<!tpu.dma_semaphore, #tpu.memory_space<semaphore_mem>>) src(%dma_wait3A_137 : memref<10240x32xf32, #tpu.memory_space<hbm>>) dst(%arg12 : memref<80x32xf32, #tpu.memory_space<vmem>>)
      %dma_start3A_138 = arith.constant 0 : i32
      %dma_start3A_139 = tpu.memref_slice %arg9[%add3A_116, %dma_start3A_138] : memref<250x80xi32, #tpu.memory_space<vmem>> -> memref<1x80xi32, #tpu.memory_space<vmem>>
      %dma_start3A_140 = tpu.memref_squeeze %dma_start3A_139 : memref<1x80xi32, #tpu.memory_space<vmem>> -> memref<80xi32, #tpu.memory_space<vmem>>
      %dma_start3A_141 = arith.constant 0 : i32
      %dma_start3A_142 = arith.constant 0 : i32
      %dma_start3A_143 = tpu.memref_slice %arg7[%dma_start3A_141, %dma_start3A_142] : memref<10240x32xf32, #tpu.memory_space<vmem_shared>> -> memref<10240x32xf32, #tpu.memory_space<vmem_shared>>
      tpu.enqueue_indirect_dma source(%arg12 : memref<80x32xf32, #tpu.memory_space<vmem>>) target(%dma_start3A_143 : memref<10240x32xf32, #tpu.memory_space<vmem_shared>>) offsets(%dma_start3A_140 : memref<80xi32, #tpu.memory_space<vmem>>) semaphore(%arg22 : memref<!tpu.dma_semaphore, #tpu.memory_space<semaphore_mem>>) {add = true}
      %mul3A_144 = arith.constant 5 : i32
      %mul3A_145 = arith.muli %scan3A_55, %mul3A_144 : i32
      %add3A_146 = arith.constant 3 : i32
      %add3A_147 = arith.addi %mul3A_145, %add3A_146 : i32
      %ge3A_148 = arith.constant 1 : i32
      %ge3A_149 = arith.cmpi sge, %add3A_147, %ge3A_148 : i32
      %convert_element_type3A_150 = arith.extui %ge3A_149 : i1 to i32
      %cond3A_151 = arith.constant 0 : i32
      %cond3A_152 = arith.cmpi ne, %convert_element_type3A_150, %cond3A_151 : i32
      scf.if %cond3A_152 {
        %dma_wait3A_206 = arith.constant 0 : i32
        %dma_wait3A_207 = arith.constant 0 : i32
        %dma_wait3A_208 = tpu.memref_slice %arg7[%dma_wait3A_206, %dma_wait3A_207] : memref<10240x32xf32, #tpu.memory_space<vmem_shared>> -> memref<80x32xf32, #tpu.memory_space<vmem_shared>>
        %dma_wait3A_209 = arith.constant 0 : i32
        %dma_wait3A_210 = arith.constant 0 : i32
        %dma_wait3A_211 = tpu.memref_slice %arg7[%dma_wait3A_209, %dma_wait3A_210] : memref<10240x32xf32, #tpu.memory_space<vmem_shared>> -> memref<80x32xf32, #tpu.memory_space<vmem_shared>>
        tpu.wait_dma2 semaphore(%arg22 : memref<!tpu.dma_semaphore, #tpu.memory_space<semaphore_mem>>) src(%arg12 : memref<80x32xf32, #tpu.memory_space<vmem>>) dst(%dma_wait3A_211 : memref<80x32xf32, #tpu.memory_space<vmem_shared>>)
      } else {
      }
      %lt3A_153 = arith.constant 246 : i32
      %lt3A_154 = arith.cmpi slt, %add3A_147, %lt3A_153 : i32
      %convert_element_type3A_155 = arith.extui %lt3A_154 : i1 to i32
      %cond3A_156 = arith.constant 0 : i32
      %cond3A_157 = arith.cmpi ne, %convert_element_type3A_155, %cond3A_156 : i32
      scf.if %cond3A_157 {
        %add3A_206 = arith.constant 5 : i32
        %add3A_207 = arith.addi %add3A_147, %add3A_206 : i32
        %sub3A = arith.constant 1 : i32
        %sub3A_208 = arith.subi %add3A_207, %sub3A : i32
        %dma_start3A_209 = arith.constant 0 : i32
        %dma_start3A_210 = tpu.memref_slice %arg8[%sub3A_208, %dma_start3A_209] : memref<250x80xi32, #tpu.memory_space<vmem>> -> memref<1x80xi32, #tpu.memory_space<vmem>>
        %dma_start3A_211 = tpu.memref_squeeze %dma_start3A_210 : memref<1x80xi32, #tpu.memory_space<vmem>> -> memref<80xi32, #tpu.memory_space<vmem>>
        %dma_start3A_212 = arith.constant 0 : i32
        %dma_start3A_213 = arith.constant 0 : i32
        %dma_start3A_214 = tpu.memref_slice %arg2[%arg0, %dma_start3A_212, %dma_start3A_213] : memref<2x10240x32xf32, #tpu.memory_space<hbm>> -> memref<1x10240x32xf32, #tpu.memory_space<hbm>>
        %dma_start3A_215 = tpu.memref_squeeze %dma_start3A_214 : memref<1x10240x32xf32, #tpu.memory_space<hbm>> -> memref<10240x32xf32, #tpu.memory_space<hbm>>
        %dma_start3A_216 = arith.constant 0 : i32
        %dma_start3A_217 = arith.constant 0 : i32
        %dma_start3A_218 = tpu.memref_slice %dma_start3A_215[%dma_start3A_216, %dma_start3A_217] : memref<10240x32xf32, #tpu.memory_space<hbm>> -> memref<10240x32xf32, #tpu.memory_space<hbm>>
        tpu.enqueue_indirect_dma source(%dma_start3A_218 : memref<10240x32xf32, #tpu.memory_space<hbm>>) target(%arg12 : memref<80x32xf32, #tpu.memory_space<vmem>>) offsets(%dma_start3A_211 : memref<80xi32, #tpu.memory_space<vmem>>) semaphore(%arg17 : memref<!tpu.dma_semaphore, #tpu.memory_space<semaphore_mem>>)
      } else {
      }
      %dma_wait3A_158 = arith.constant 0 : i32
      %dma_wait3A_159 = arith.constant 0 : i32
      %dma_wait3A_160 = tpu.memref_slice %arg8[%dma_wait3A_158, %dma_wait3A_159] : memref<250x80xi32, #tpu.memory_space<vmem>> -> memref<1x80xi32, #tpu.memory_space<vmem>>
      %dma_wait3A_161 = tpu.memref_squeeze %dma_wait3A_160 : memref<1x80xi32, #tpu.memory_space<vmem>> -> memref<80xi32, #tpu.memory_space<vmem>>
      %dma_wait3A_162 = arith.constant 0 : i32
      %dma_wait3A_163 = arith.constant 0 : i32
      %dma_wait3A_164 = tpu.memref_slice %arg2[%arg0, %dma_wait3A_162, %dma_wait3A_163] : memref<2x10240x32xf32, #tpu.memory_space<hbm>> -> memref<1x10240x32xf32, #tpu.memory_space<hbm>>
      %dma_wait3A_165 = tpu.memref_squeeze %dma_wait3A_164 : memref<1x10240x32xf32, #tpu.memory_space<hbm>> -> memref<10240x32xf32, #tpu.memory_space<hbm>>
      %dma_wait3A_166 = arith.constant 0 : i32
      %dma_wait3A_167 = arith.constant 0 : i32
      %dma_wait3A_168 = tpu.memref_slice %dma_wait3A_165[%dma_wait3A_166, %dma_wait3A_167] : memref<10240x32xf32, #tpu.memory_space<hbm>> -> memref<10240x32xf32, #tpu.memory_space<hbm>>
      tpu.wait_indirect_dma semaphore(%arg18 : memref<!tpu.dma_semaphore, #tpu.memory_space<semaphore_mem>>) src(%dma_wait3A_168 : memref<10240x32xf32, #tpu.memory_space<hbm>>) dst(%arg13 : memref<80x32xf32, #tpu.memory_space<vmem>>)
      %dma_start3A_169 = arith.constant 0 : i32
      %dma_start3A_170 = tpu.memref_slice %arg9[%add3A_147, %dma_start3A_169] : memref<250x80xi32, #tpu.memory_space<vmem>> -> memref<1x80xi32, #tpu.memory_space<vmem>>
      %dma_start3A_171 = tpu.memref_squeeze %dma_start3A_170 : memref<1x80xi32, #tpu.memory_space<vmem>> -> memref<80xi32, #tpu.memory_space<vmem>>
      %dma_start3A_172 = arith.constant 0 : i32
      %dma_start3A_173 = arith.constant 0 : i32
      %dma_start3A_174 = tpu.memref_slice %arg7[%dma_start3A_172, %dma_start3A_173] : memref<10240x32xf32, #tpu.memory_space<vmem_shared>> -> memref<10240x32xf32, #tpu.memory_space<vmem_shared>>
      tpu.enqueue_indirect_dma source(%arg13 : memref<80x32xf32, #tpu.memory_space<vmem>>) target(%dma_start3A_174 : memref<10240x32xf32, #tpu.memory_space<vmem_shared>>) offsets(%dma_start3A_171 : memref<80xi32, #tpu.memory_space<vmem>>) semaphore(%arg23 : memref<!tpu.dma_semaphore, #tpu.memory_space<semaphore_mem>>) {add = true}
      %mul3A_175 = arith.constant 5 : i32
      %mul3A_176 = arith.muli %scan3A_55, %mul3A_175 : i32
      %add3A_177 = arith.constant 4 : i32
      %add3A_178 = arith.addi %mul3A_176, %add3A_177 : i32
      %ge3A_179 = arith.constant 1 : i32
      %ge3A_180 = arith.cmpi sge, %add3A_178, %ge3A_179 : i32
      %convert_element_type3A_181 = arith.extui %ge3A_180 : i1 to i32
      %cond3A_182 = arith.constant 0 : i32
      %cond3A_183 = arith.cmpi ne, %convert_element_type3A_181, %cond3A_182 : i32
      scf.if %cond3A_183 {
        %dma_wait3A_206 = arith.constant 0 : i32
        %dma_wait3A_207 = arith.constant 0 : i32
        %dma_wait3A_208 = tpu.memref_slice %arg7[%dma_wait3A_206, %dma_wait3A_207] : memref<10240x32xf32, #tpu.memory_space<vmem_shared>> -> memref<80x32xf32, #tpu.memory_space<vmem_shared>>
        %dma_wait3A_209 = arith.constant 0 : i32
        %dma_wait3A_210 = arith.constant 0 : i32
        %dma_wait3A_211 = tpu.memref_slice %arg7[%dma_wait3A_209, %dma_wait3A_210] : memref<10240x32xf32, #tpu.memory_space<vmem_shared>> -> memref<80x32xf32, #tpu.memory_space<vmem_shared>>
        tpu.wait_dma2 semaphore(%arg23 : memref<!tpu.dma_semaphore, #tpu.memory_space<semaphore_mem>>) src(%arg13 : memref<80x32xf32, #tpu.memory_space<vmem>>) dst(%dma_wait3A_211 : memref<80x32xf32, #tpu.memory_space<vmem_shared>>)
      } else {
      }
      %lt3A_184 = arith.constant 246 : i32
      %lt3A_185 = arith.cmpi slt, %add3A_178, %lt3A_184 : i32
      %convert_element_type3A_186 = arith.extui %lt3A_185 : i1 to i32
      %cond3A_187 = arith.constant 0 : i32
      %cond3A_188 = arith.cmpi ne, %convert_element_type3A_186, %cond3A_187 : i32
      scf.if %cond3A_188 {
        %add3A_206 = arith.constant 5 : i32
        %add3A_207 = arith.addi %add3A_178, %add3A_206 : i32
        %sub3A = arith.constant 1 : i32
        %sub3A_208 = arith.subi %add3A_207, %sub3A : i32
        %dma_start3A_209 = arith.constant 0 : i32
        %dma_start3A_210 = tpu.memref_slice %arg8[%sub3A_208, %dma_start3A_209] : memref<250x80xi32, #tpu.memory_space<vmem>> -> memref<1x80xi32, #tpu.memory_space<vmem>>
        %dma_start3A_211 = tpu.memref_squeeze %dma_start3A_210 : memref<1x80xi32, #tpu.memory_space<vmem>> -> memref<80xi32, #tpu.memory_space<vmem>>
        %dma_start3A_212 = arith.constant 0 : i32
        %dma_start3A_213 = arith.constant 0 : i32
        %dma_start3A_214 = tpu.memref_slice %arg2[%arg0, %dma_start3A_212, %dma_start3A_213] : memref<2x10240x32xf32, #tpu.memory_space<hbm>> -> memref<1x10240x32xf32, #tpu.memory_space<hbm>>
        %dma_start3A_215 = tpu.memref_squeeze %dma_start3A_214 : memref<1x10240x32xf32, #tpu.memory_space<hbm>> -> memref<10240x32xf32, #tpu.memory_space<hbm>>
        %dma_start3A_216 = arith.constant 0 : i32
        %dma_start3A_217 = arith.constant 0 : i32
        %dma_start3A_218 = tpu.memref_slice %dma_start3A_215[%dma_start3A_216, %dma_start3A_217] : memref<10240x32xf32, #tpu.memory_space<hbm>> -> memref<10240x32xf32, #tpu.memory_space<hbm>>
        tpu.enqueue_indirect_dma source(%dma_start3A_218 : memref<10240x32xf32, #tpu.memory_space<hbm>>) target(%arg13 : memref<80x32xf32, #tpu.memory_space<vmem>>) offsets(%dma_start3A_211 : memref<80xi32, #tpu.memory_space<vmem>>) semaphore(%arg18 : memref<!tpu.dma_semaphore, #tpu.memory_space<semaphore_mem>>)
      } else {
      }
      %dma_wait3A_189 = arith.constant 0 : i32
      %dma_wait3A_190 = arith.constant 0 : i32
      %dma_wait3A_191 = tpu.memref_slice %arg8[%dma_wait3A_189, %dma_wait3A_190] : memref<250x80xi32, #tpu.memory_space<vmem>> -> memref<1x80xi32, #tpu.memory_space<vmem>>
      %dma_wait3A_192 = tpu.memref_squeeze %dma_wait3A_191 : memref<1x80xi32, #tpu.memory_space<vmem>> -> memref<80xi32, #tpu.memory_space<vmem>>
      %dma_wait3A_193 = arith.constant 0 : i32
      %dma_wait3A_194 = arith.constant 0 : i32
      %dma_wait3A_195 = tpu.memref_slice %arg2[%arg0, %dma_wait3A_193, %dma_wait3A_194] : memref<2x10240x32xf32, #tpu.memory_space<hbm>> -> memref<1x10240x32xf32, #tpu.memory_space<hbm>>
      %dma_wait3A_196 = tpu.memref_squeeze %dma_wait3A_195 : memref<1x10240x32xf32, #tpu.memory_space<hbm>> -> memref<10240x32xf32, #tpu.memory_space<hbm>>
      %dma_wait3A_197 = arith.constant 0 : i32
      %dma_wait3A_198 = arith.constant 0 : i32
      %dma_wait3A_199 = tpu.memref_slice %dma_wait3A_196[%dma_wait3A_197, %dma_wait3A_198] : memref<10240x32xf32, #tpu.memory_space<hbm>> -> memref<10240x32xf32, #tpu.memory_space<hbm>>
      tpu.wait_indirect_dma semaphore(%arg19 : memref<!tpu.dma_semaphore, #tpu.memory_space<semaphore_mem>>) src(%dma_wait3A_199 : memref<10240x32xf32, #tpu.memory_space<hbm>>) dst(%arg14 : memref<80x32xf32, #tpu.memory_space<vmem>>)
      %dma_start3A_200 = arith.constant 0 : i32
      %dma_start3A_201 = tpu.memref_slice %arg9[%add3A_178, %dma_start3A_200] : memref<250x80xi32, #tpu.memory_space<vmem>> -> memref<1x80xi32, #tpu.memory_space<vmem>>
      %dma_start3A_202 = tpu.memref_squeeze %dma_start3A_201 : memref<1x80xi32, #tpu.memory_space<vmem>> -> memref<80xi32, #tpu.memory_space<vmem>>
      %dma_start3A_203 = arith.constant 0 : i32
      %dma_start3A_204 = arith.constant 0 : i32
      %dma_start3A_205 = tpu.memref_slice %arg7[%dma_start3A_203, %dma_start3A_204] : memref<10240x32xf32, #tpu.memory_space<vmem_shared>> -> memref<10240x32xf32, #tpu.memory_space<vmem_shared>>
      tpu.enqueue_indirect_dma source(%arg14 : memref<80x32xf32, #tpu.memory_space<vmem>>) target(%dma_start3A_205 : memref<10240x32xf32, #tpu.memory_space<vmem_shared>>) offsets(%dma_start3A_202 : memref<80xi32, #tpu.memory_space<vmem>>) semaphore(%arg24 : memref<!tpu.dma_semaphore, #tpu.memory_space<semaphore_mem>>) {add = true}
    }
    %scan3A_48 = arith.constant 50 : i32
    %dma_wait3A = arith.constant 0 : i32
    %dma_wait3A_49 = arith.constant 0 : i32
    %dma_wait3A_50 = tpu.memref_slice %arg7[%dma_wait3A, %dma_wait3A_49] : memref<10240x32xf32, #tpu.memory_space<vmem_shared>> -> memref<80x32xf32, #tpu.memory_space<vmem_shared>>
    %dma_wait3A_51 = arith.constant 0 : i32
    %dma_wait3A_52 = arith.constant 0 : i32
    %dma_wait3A_53 = tpu.memref_slice %arg7[%dma_wait3A_51, %dma_wait3A_52] : memref<10240x32xf32, #tpu.memory_space<vmem_shared>> -> memref<80x32xf32, #tpu.memory_space<vmem_shared>>
    tpu.wait_dma2 semaphore(%arg24 : memref<!tpu.dma_semaphore, #tpu.memory_space<semaphore_mem>>) src(%arg14 : memref<80x32xf32, #tpu.memory_space<vmem>>) dst(%dma_wait3A_53 : memref<80x32xf32, #tpu.memory_space<vmem_shared>>)
    %barrier3A_54 = arith.constant 0 : index
    tpu.barrier barrier_id(%barrier3A_54)
    "tpu.region"() ({
      %run_scoped3A = tpu.sem_alloc : memref<!tpu.dma_semaphore, #tpu.memory_space<semaphore_mem>>
      %dma_start3A_55 = arith.constant 0 : i32
      %dma_start3A_56 = tpu.memref_slice %arg6[%arg0, %mul3A_0, %dma_start3A_55] : memref<2x10240x32xf32, #tpu.memory_space<hbm>> -> memref<1x640x32xf32, #tpu.memory_space<hbm>>
      %dma_start3A_57 = tpu.memref_squeeze %dma_start3A_56 : memref<1x640x32xf32, #tpu.memory_space<hbm>> -> memref<640x32xf32, #tpu.memory_space<hbm>>
      %dma_start3A_58 = arith.constant 0 : i32
      %dma_start3A_59 = tpu.memref_slice %arg7[%mul3A_0, %dma_start3A_58] : memref<10240x32xf32, #tpu.memory_space<vmem_shared>> -> memref<640x32xf32, #tpu.memory_space<vmem_shared>>
      tpu.enqueue_dma source(%dma_start3A_59 : memref<640x32xf32, #tpu.memory_space<vmem_shared>>) target(%dma_start3A_57 : memref<640x32xf32, #tpu.memory_space<hbm>>) target_semaphore(%run_scoped3A : memref<!tpu.dma_semaphore, #tpu.memory_space<semaphore_mem>>)
      %dma_wait3A_60 = arith.constant 0 : i32
      %dma_wait3A_61 = tpu.memref_slice %arg6[%arg0, %mul3A_0, %dma_wait3A_60] : memref<2x10240x32xf32, #tpu.memory_space<hbm>> -> memref<1x640x32xf32, #tpu.memory_space<hbm>>
      %dma_wait3A_62 = tpu.memref_squeeze %dma_wait3A_61 : memref<1x640x32xf32, #tpu.memory_space<hbm>> -> memref<640x32xf32, #tpu.memory_space<hbm>>
      %dma_wait3A_63 = arith.constant 0 : i32
      %dma_wait3A_64 = tpu.memref_slice %arg7[%mul3A_0, %dma_wait3A_63] : memref<10240x32xf32, #tpu.memory_space<vmem_shared>> -> memref<640x32xf32, #tpu.memory_space<vmem_shared>>
      tpu.wait_dma2 semaphore(%run_scoped3A : memref<!tpu.dma_semaphore, #tpu.memory_space<semaphore_mem>>) src(%dma_wait3A_64 : memref<640x32xf32, #tpu.memory_space<vmem_shared>>) dst(%dma_wait3A_62 : memref<640x32xf32, #tpu.memory_space<hbm>>)
      tpu.yield
    }) : () -> ()
    return
  }
}

module attributes {stable_mosaic.version = 14 : i64} {
  func.func @_tc1_body(%arg0: i32, %arg1: memref<1024x128xf32, #tpu.memory_space<vmem>>, %arg2: memref<128x128xf32, #tpu.memory_space<vmem>>, %arg3: memref<1024x16xf32, #tpu.memory_space<vmem>>, %arg4: memref<2x1024x64xf32, #tpu.memory_space<vmem>>) attributes {dimension_semantics = [#tpu.dimension_semantics<arbitrary>], iteration_bounds = array<i64: 10>, scalar_prefetch = 0 : i64, scratch_operands = 0 : i64, tpu.core_type = #tpu.core_type<tc>, window_params = [{transform_indices = @transform_0, window_bounds = array<i64: 1024, 128>}, {pipeline_mode = #tpu.pipeline_mode<synchronous>, transform_indices = @transform_1, window_bounds = array<i64: 128, 128>}, {transform_indices = @transform_2, window_bounds = array<i64: 1024, 16>}, {transform_indices = @transform_3, window_bounds = array<i64: 2, 1024, 64>}]} {
    %get3A = arith.constant 0 : index
    %get3A_0 = arith.constant 0 : index
    %get3A_1 = vector.load %arg3[%get3A, %get3A_0] : memref<1024x16xf32, #tpu.memory_space<vmem>>, vector<1024x1xf32>
    %jit3A = arith.constant 1.000000e+00 : f32
    %max3A = vector.broadcast %jit3A : f32 to vector<1024x1xf32>
    %max3A_2 = arith.maximumf %max3A, %get3A_1 : vector<1024x1xf32>
    %rsqrt3A = math.rsqrt %max3A_2 : vector<1024x1xf32>
    %get3A_3 = arith.constant 0 : index
    %get3A_4 = arith.constant 0 : index
    %get3A_5 = vector.load %arg1[%get3A_3, %get3A_4] : memref<1024x128xf32, #tpu.memory_space<vmem>>, vector<1024x128xf32>
    %get3A_6 = arith.constant 0 : index
    %get3A_7 = arith.constant 0 : index
    %get3A_8 = vector.load %arg2[%get3A_6, %get3A_7] : memref<128x128xf32, #tpu.memory_space<vmem>>, vector<128x128xf32>
    %dot_general3A = arith.constant dense<0.000000e+00> : vector<1024x128xf32>
    %dot_general3A_9 = tpu.matmul %get3A_5, %get3A_8, %dot_general3A {dimension_numbers = #tpu.dot_dimension_numbers<[1], [0], [0], [1], [0, 0, 1, 1], [], []>, transpose_lhs_hint = false} : vector<1024x128xf32>, vector<128x128xf32>, vector<1024x128xf32> -> vector<1024x128xf32>
    %mul3A = vector.broadcast %rsqrt3A : vector<1024x1xf32> to vector<1024x128xf32>
    %mul3A_10 = arith.mulf %dot_general3A_9, %mul3A : vector<1024x128xf32>
    %slice3A = vector.extract_strided_slice %mul3A_10 {offsets = [0, 0], sizes = [1024, 64], strides = [1, 1]} : vector<1024x128xf32> to vector<1024x64xf32>
    %swap3A = arith.constant 0 : index
    %swap3A_11 = arith.constant 0 : index
    %swap3A_12 = arith.constant 0 : index
    %swap3A_13 = vector.load %arg4[%swap3A, %swap3A_11, %swap3A_12] : memref<2x1024x64xf32, #tpu.memory_space<vmem>>, vector<1x1024x64xf32>
    %swap3A_14 = vector.shape_cast %swap3A_13 : vector<1x1024x64xf32> to vector<1024x64xf32>
    %swap3A_15 = vector.shape_cast %slice3A : vector<1024x64xf32> to vector<1x1024x64xf32>
    tpu.vector_store %arg4[%swap3A, %swap3A_11, %swap3A_12], %swap3A_15 {strides = array<i32>} : memref<2x1024x64xf32, #tpu.memory_space<vmem>>, vector<1x1024x64xf32>,
    %slice3A_16 = vector.extract_strided_slice %mul3A_10 {offsets = [0, 64], sizes = [1024, 64], strides = [1, 1]} : vector<1024x128xf32> to vector<1024x64xf32>
    %swap3A_17 = arith.constant 1 : index
    %swap3A_18 = arith.constant 0 : index
    %swap3A_19 = arith.constant 0 : index
    %swap3A_20 = vector.load %arg4[%swap3A_17, %swap3A_18, %swap3A_19] : memref<2x1024x64xf32, #tpu.memory_space<vmem>>, vector<1x1024x64xf32>
    %swap3A_21 = vector.shape_cast %swap3A_20 : vector<1x1024x64xf32> to vector<1024x64xf32>
    %swap3A_22 = vector.shape_cast %slice3A_16 : vector<1024x64xf32> to vector<1x1024x64xf32>
    tpu.vector_store %arg4[%swap3A_17, %swap3A_18, %swap3A_19], %swap3A_22 {strides = array<i32>} : memref<2x1024x64xf32, #tpu.memory_space<vmem>>, vector<1x1024x64xf32>,
    return
  }
  func.func @transform_0(%arg0: i32) -> (i32, i32) {
    %c0_i32 = arith.constant 0 : i32
    %c0_i32_0 = arith.constant 0 : i32
    return %arg0, %c0_i32 : i32, i32
  }
  func.func @transform_1(%arg0: i32) -> (i32, i32) {
    %c0_i32 = arith.constant 0 : i32
    %c0_i32_0 = arith.constant 0 : i32
    %c0_i32_1 = arith.constant 0 : i32
    return %c0_i32, %c0_i32_0 : i32, i32
  }
  func.func @transform_2(%arg0: i32) -> (i32, i32) {
    %c0_i32 = arith.constant 0 : i32
    %c0_i32_0 = arith.constant 0 : i32
    return %arg0, %c0_i32 : i32, i32
  }
  func.func @transform_3(%arg0: i32) -> (i32, i32, i32) {
    %c0_i32 = arith.constant 0 : i32
    %c0_i32_0 = arith.constant 0 : i32
    %c0_i32_1 = arith.constant 0 : i32
    return %c0_i32, %arg0, %c0_i32_0 : i32, i32, i32
  }
}

module attributes {stable_mosaic.version = 14 : i64} {
  func.func @_tc2_body(%arg0: i32, %arg1: memref<2x1024x64xf32, #tpu.memory_space<vmem>>, %arg2: memref<1024x16xf32, #tpu.memory_space<vmem>>, %arg3: memref<1024x16xf32, #tpu.memory_space<vmem>>, %arg4: memref<128x64xf32, #tpu.memory_space<vmem>>, %arg5: memref<1x128xf32, #tpu.memory_space<vmem>>, %arg6: memref<2x1024x32xf32, #tpu.memory_space<vmem>>) attributes {dimension_semantics = [#tpu.dimension_semantics<arbitrary>], iteration_bounds = array<i64: 10>, scalar_prefetch = 0 : i64, scratch_operands = 0 : i64, tpu.core_type = #tpu.core_type<tc>, window_params = [{transform_indices = @transform_0, window_bounds = array<i64: 2, 1024, 64>}, {transform_indices = @transform_1, window_bounds = array<i64: 1024, 16>}, {transform_indices = @transform_2, window_bounds = array<i64: 1024, 16>}, {pipeline_mode = #tpu.pipeline_mode<synchronous>, transform_indices = @transform_3, window_bounds = array<i64: 128, 64>}, {pipeline_mode = #tpu.pipeline_mode<synchronous>, transform_indices = @transform_4, window_bounds = array<i64: 1, 128>}, {transform_indices = @transform_5, window_bounds = array<i64: 2, 1024, 32>}]} {
    %get3A = arith.constant 0 : index
    %get3A_0 = arith.constant 0 : index
    %get3A_1 = vector.load %arg2[%get3A, %get3A_0] : memref<1024x16xf32, #tpu.memory_space<vmem>>, vector<1024x1xf32>
    %jit3A = arith.constant 1.000000e+00 : f32
    %max3A = vector.broadcast %jit3A : f32 to vector<1024x1xf32>
    %max3A_2 = arith.maximumf %max3A, %get3A_1 : vector<1024x1xf32>
    %rsqrt3A = math.rsqrt %max3A_2 : vector<1024x1xf32>
    %get3A_3 = arith.constant 0 : index
    %get3A_4 = arith.constant 0 : index
    %get3A_5 = vector.load %arg3[%get3A_3, %get3A_4] : memref<1024x16xf32, #tpu.memory_space<vmem>>, vector<1024x1xf32>
    %jit3A_6 = arith.constant 1.000000e+00 : f32
    %max3A_7 = vector.broadcast %jit3A_6 : f32 to vector<1024x1xf32>
    %max3A_8 = arith.maximumf %max3A_7, %get3A_5 : vector<1024x1xf32>
    %rsqrt3A_9 = math.rsqrt %max3A_8 : vector<1024x1xf32>
    %get3A_10 = arith.constant 0 : index
    %get3A_11 = arith.constant 0 : index
    %get3A_12 = arith.constant 0 : index
    %get3A_13 = vector.load %arg1[%get3A_10, %get3A_11, %get3A_12] : memref<2x1024x64xf32, #tpu.memory_space<vmem>>, vector<1x1024x64xf32>
    %get3A_14 = vector.shape_cast %get3A_13 : vector<1x1024x64xf32> to vector<1024x64xf32>
    %get3A_15 = arith.constant 1 : index
    %get3A_16 = arith.constant 0 : index
    %get3A_17 = arith.constant 0 : index
    %get3A_18 = vector.load %arg1[%get3A_15, %get3A_16, %get3A_17] : memref<2x1024x64xf32, #tpu.memory_space<vmem>>, vector<1x1024x64xf32>
    %get3A_19 = vector.shape_cast %get3A_18 : vector<1x1024x64xf32> to vector<1024x64xf32>
    %concatenate3A = tpu.concatenate %get3A_14, %get3A_19 in 1 : vector<1024x64xf32>, vector<1024x64xf32> -> vector<1024x128xf32>
    %mul3A = vector.broadcast %rsqrt3A : vector<1024x1xf32> to vector<1024x128xf32>
    %mul3A_20 = arith.mulf %concatenate3A, %mul3A : vector<1024x128xf32>
    %get3A_21 = arith.constant 0 : index
    %get3A_22 = arith.constant 0 : index
    %get3A_23 = vector.load %arg5[%get3A_21, %get3A_22] : memref<1x128xf32, #tpu.memory_space<vmem>>, vector<1x128xf32>
    %add3A = vector.broadcast %get3A_23 : vector<1x128xf32> to vector<1024x128xf32>
    %add3A_24 = arith.addf %mul3A_20, %add3A : vector<1024x128xf32>
    %max3A_25 = arith.constant 0.000000e+00 : f32
    %max3A_26 = vector.broadcast %max3A_25 : f32 to vector<1024x128xf32>
    %max3A_27 = arith.maximumf %add3A_24, %max3A_26 : vector<1024x128xf32>
    %get3A_28 = arith.constant 0 : index
    %get3A_29 = arith.constant 0 : index
    %get3A_30 = vector.load %arg4[%get3A_28, %get3A_29] : memref<128x64xf32, #tpu.memory_space<vmem>>, vector<128x64xf32>
    %dot_general3A = arith.constant dense<0.000000e+00> : vector<1024x64xf32>
    %dot_general3A_31 = tpu.matmul %max3A_27, %get3A_30, %dot_general3A {dimension_numbers = #tpu.dot_dimension_numbers<[1], [0], [0], [1], [0, 0, 1, 1], [], []>, transpose_lhs_hint = false} : vector<1024x128xf32>, vector<128x64xf32>, vector<1024x64xf32> -> vector<1024x64xf32>
    %mul3A_32 = vector.broadcast %rsqrt3A_9 : vector<1024x1xf32> to vector<1024x64xf32>
    %mul3A_33 = arith.mulf %dot_general3A_31, %mul3A_32 : vector<1024x64xf32>
    %slice3A = vector.extract_strided_slice %mul3A_33 {offsets = [0, 0], sizes = [1024, 32], strides = [1, 1]} : vector<1024x64xf32> to vector<1024x32xf32>
    %swap3A = arith.constant 0 : index
    %swap3A_34 = arith.constant 0 : index
    %swap3A_35 = arith.constant 0 : index
    %swap3A_36 = vector.load %arg6[%swap3A, %swap3A_34, %swap3A_35] : memref<2x1024x32xf32, #tpu.memory_space<vmem>>, vector<1x1024x32xf32>
    %swap3A_37 = vector.shape_cast %swap3A_36 : vector<1x1024x32xf32> to vector<1024x32xf32>
    %swap3A_38 = vector.shape_cast %slice3A : vector<1024x32xf32> to vector<1x1024x32xf32>
    tpu.vector_store %arg6[%swap3A, %swap3A_34, %swap3A_35], %swap3A_38 {strides = array<i32>} : memref<2x1024x32xf32, #tpu.memory_space<vmem>>, vector<1x1024x32xf32>,
    %slice3A_39 = vector.extract_strided_slice %mul3A_33 {offsets = [0, 32], sizes = [1024, 32], strides = [1, 1]} : vector<1024x64xf32> to vector<1024x32xf32>
    %swap3A_40 = arith.constant 1 : index
    %swap3A_41 = arith.constant 0 : index
    %swap3A_42 = arith.constant 0 : index
    %swap3A_43 = vector.load %arg6[%swap3A_40, %swap3A_41, %swap3A_42] : memref<2x1024x32xf32, #tpu.memory_space<vmem>>, vector<1x1024x32xf32>
    %swap3A_44 = vector.shape_cast %swap3A_43 : vector<1x1024x32xf32> to vector<1024x32xf32>
    %swap3A_45 = vector.shape_cast %slice3A_39 : vector<1024x32xf32> to vector<1x1024x32xf32>
    tpu.vector_store %arg6[%swap3A_40, %swap3A_41, %swap3A_42], %swap3A_45 {strides = array<i32>} : memref<2x1024x32xf32, #tpu.memory_space<vmem>>, vector<1x1024x32xf32>,
    return
  }
  func.func @transform_0(%arg0: i32) -> (i32, i32, i32) {
    %c0_i32 = arith.constant 0 : i32
    %c0_i32_0 = arith.constant 0 : i32
    %c0_i32_1 = arith.constant 0 : i32
    return %c0_i32, %arg0, %c0_i32_0 : i32, i32, i32
  }
  func.func @transform_1(%arg0: i32) -> (i32, i32) {
    %c0_i32 = arith.constant 0 : i32
    %c0_i32_0 = arith.constant 0 : i32
    return %arg0, %c0_i32 : i32, i32
  }
  func.func @transform_2(%arg0: i32) -> (i32, i32) {
    %c0_i32 = arith.constant 0 : i32
    %c0_i32_0 = arith.constant 0 : i32
    return %arg0, %c0_i32 : i32, i32
  }
  func.func @transform_3(%arg0: i32) -> (i32, i32) {
    %c0_i32 = arith.constant 0 : i32
    %c0_i32_0 = arith.constant 0 : i32
    %c0_i32_1 = arith.constant 0 : i32
    return %c0_i32, %c0_i32_0 : i32, i32
  }
  func.func @transform_4(%arg0: i32) -> (i32, i32) {
    %c0_i32 = arith.constant 0 : i32
    %c0_i32_0 = arith.constant 0 : i32
    %c0_i32_1 = arith.constant 0 : i32
    return %c0_i32, %c0_i32_0 : i32, i32
  }
  func.func @transform_5(%arg0: i32) -> (i32, i32, i32) {
    %c0_i32 = arith.constant 0 : i32
    %c0_i32_0 = arith.constant 0 : i32
    %c0_i32_1 = arith.constant 0 : i32
    return %c0_i32, %arg0, %c0_i32_0 : i32, i32, i32
  }
}

module attributes {stable_mosaic.version = 14 : i64} {
  func.func @_tc3_body(%arg0: i32, %arg1: memref<2x1024x32xf32, #tpu.memory_space<vmem>>, %arg2: memref<1024x16xf32, #tpu.memory_space<vmem>>, %arg3: memref<1x64xf32, #tpu.memory_space<vmem>>, %arg4: memref<1024x64xf32, #tpu.memory_space<vmem>>) attributes {dimension_semantics = [#tpu.dimension_semantics<arbitrary>], iteration_bounds = array<i64: 10>, scalar_prefetch = 0 : i64, scratch_operands = 0 : i64, tpu.core_type = #tpu.core_type<tc>, window_params = [{transform_indices = @transform_0, window_bounds = array<i64: 2, 1024, 32>}, {transform_indices = @transform_1, window_bounds = array<i64: 1024, 16>}, {pipeline_mode = #tpu.pipeline_mode<synchronous>, transform_indices = @transform_2, window_bounds = array<i64: 1, 64>}, {transform_indices = @transform_3, window_bounds = array<i64: 1024, 64>}]} {
    %get3A = arith.constant 0 : index
    %get3A_0 = arith.constant 0 : index
    %get3A_1 = vector.load %arg2[%get3A, %get3A_0] : memref<1024x16xf32, #tpu.memory_space<vmem>>, vector<1024x1xf32>
    %jit3A = arith.constant 1.000000e+00 : f32
    %max3A = vector.broadcast %jit3A : f32 to vector<1024x1xf32>
    %max3A_2 = arith.maximumf %max3A, %get3A_1 : vector<1024x1xf32>
    %rsqrt3A = math.rsqrt %max3A_2 : vector<1024x1xf32>
    %get3A_3 = arith.constant 0 : index
    %get3A_4 = arith.constant 0 : index
    %get3A_5 = arith.constant 0 : index
    %get3A_6 = vector.load %arg1[%get3A_3, %get3A_4, %get3A_5] : memref<2x1024x32xf32, #tpu.memory_space<vmem>>, vector<1x1024x32xf32>
    %get3A_7 = vector.shape_cast %get3A_6 : vector<1x1024x32xf32> to vector<1024x32xf32>
    %get3A_8 = arith.constant 1 : index
    %get3A_9 = arith.constant 0 : index
    %get3A_10 = arith.constant 0 : index
    %get3A_11 = vector.load %arg1[%get3A_8, %get3A_9, %get3A_10] : memref<2x1024x32xf32, #tpu.memory_space<vmem>>, vector<1x1024x32xf32>
    %get3A_12 = vector.shape_cast %get3A_11 : vector<1x1024x32xf32> to vector<1024x32xf32>
    %concatenate3A = tpu.concatenate %get3A_7, %get3A_12 in 1 : vector<1024x32xf32>, vector<1024x32xf32> -> vector<1024x64xf32>
    %mul3A = vector.broadcast %rsqrt3A : vector<1024x1xf32> to vector<1024x64xf32>
    %mul3A_13 = arith.mulf %concatenate3A, %mul3A : vector<1024x64xf32>
    %get3A_14 = arith.constant 0 : index
    %get3A_15 = arith.constant 0 : index
    %get3A_16 = vector.load %arg3[%get3A_14, %get3A_15] : memref<1x64xf32, #tpu.memory_space<vmem>>, vector<1x64xf32>
    %add3A = vector.broadcast %get3A_16 : vector<1x64xf32> to vector<1024x64xf32>
    %add3A_17 = arith.addf %mul3A_13, %add3A : vector<1024x64xf32>
    %max3A_18 = arith.constant 0.000000e+00 : f32
    %max3A_19 = vector.broadcast %max3A_18 : f32 to vector<1024x64xf32>
    %max3A_20 = arith.maximumf %add3A_17, %max3A_19 : vector<1024x64xf32>
    %swap3A = arith.constant 0 : index
    %swap3A_21 = arith.constant 0 : index
    %swap3A_22 = vector.load %arg4[%swap3A, %swap3A_21] : memref<1024x64xf32, #tpu.memory_space<vmem>>, vector<1024x64xf32>
    tpu.vector_store %arg4[%swap3A, %swap3A_21], %max3A_20 {strides = array<i32>} : memref<1024x64xf32, #tpu.memory_space<vmem>>, vector<1024x64xf32>,
    return
  }
  func.func @transform_0(%arg0: i32) -> (i32, i32, i32) {
    %c0_i32 = arith.constant 0 : i32
    %c0_i32_0 = arith.constant 0 : i32
    %c0_i32_1 = arith.constant 0 : i32
    return %c0_i32, %arg0, %c0_i32_0 : i32, i32, i32
  }
  func.func @transform_1(%arg0: i32) -> (i32, i32) {
    %c0_i32 = arith.constant 0 : i32
    %c0_i32_0 = arith.constant 0 : i32
    return %arg0, %c0_i32 : i32, i32
  }
  func.func @transform_2(%arg0: i32) -> (i32, i32) {
    %c0_i32 = arith.constant 0 : i32
    %c0_i32_0 = arith.constant 0 : i32
    %c0_i32_1 = arith.constant 0 : i32
    return %c0_i32, %c0_i32_0 : i32, i32
  }
  func.func @transform_3(%arg0: i32) -> (i32, i32) {
    %c0_i32 = arith.constant 0 : i32
    %c0_i32_0 = arith.constant 0 : i32
    return %arg0, %c0_i32 : i32, i32
  }
}

</mosaic_0001>

<sc_bundles>
// kernel: kernel.11.cloned.1.call-start
scs
__scs_entry_jumppad:
0x0: {  	(pc) =	sbr.rel $0x88, $3  }
0x1: {  	(tag) =	ssettag $0x0;
	lr =	simm.s32 $0x1  }
0x2: {  	[smem:$0x3F9B] =	sst lr;
	_ =	strace $0xD0000000  }
0x3: {  	_ = 	snop  }
0x4: {  	_ = 	snop  }
0x5: {  	_ = 	snop  }
0x6: {  	_ = 	snop  }
0x7: {  	_ = 	snop  }
__scs_overlays_trampoline_lowered:
0x8: {  	[smem:$0x3FAA] =	sst s0  }
0x9: {  	[smem:$0x3FAB] =	sst s1  }
0xa: {  	[smem:$0x3FAC] =	sst s2  }
0xb: {  	[smem:$0x3FAD] =	sst s3  }
0xc: {  	[smem:$0x3FAE] =	sst s4  }
0xd: {  	[smem:$0x3FAF] =	sst s5  }
0xe: {  	[smem:$0x3FB0] =	sst s6  }
0xf: {  	[smem:$0x3FB1] =	sst s7  }
0x10: {  	[smem:$0x3FB2] =	sst s8  }
0x11: {  	[smem:$0x3FB3] =	sst s9;
	s0 =	simm.s32 @!p0 $0x0  }
0x12: {  	s1 =	sld [smem:$0x3F99];
	s0 =	simm.s32 @p0 $0x1  }
0x13: {  	[smem:$0x3FB4] =	sst s0;
	s0 =	simm.s32 @!p1 $0x0  }
0x14: {  	s2 =	sld [smem:$0x3F98];
	s0 =	simm.s32 @p1 $0x1  }
0x15: {  	[smem:$0x3FB5] =	sst s0;
	s0 =	simm.s32 @!p2 $0x0  }
0x16: {  	s3 =	sld [smem:$0x3FDB];
	s0 =	simm.s32 @p2 $0x1  }
0x17: {  	s4 =	simm.s32 $0x1BF5;
	[smem:$0x3FB7] =	sst s0  }
0x18: {  	s0 =	sld [smem:$0x3F9A];
	_ =	swait.ge [sflag:s4], $0x0  }
0x19: {  	s7 =	sld [smem:$0x3F9B]  }
0x1a: {  	s8 =	sadd.s32 $0xFFFFE003, lr  }
0x1b: {  	s9 =	sadd.s32 $0xFFFFFEF7, lr;
	s5 =	simm.s32 $0xFFFFFFFF;
	p2 =	slt.u32 s8, $0xFFFFF086  }
0x1c: {  	p1 =	slt.u32 s9, $0xF7A;
	s5 =	simm.s32 @!p2 $0x0  }
0x1d: {  	s5 =	simm.s32 @p1 $0x1;
	p0 =	seq.s32 s7, s2  }
0x1e: {  	s7 =	smul.u32 @!p0 $0xF7A, s2;
	p2 =	seq.s32 @!p0 s5, $0x0  }
0x1f: {  	s9 =	smul.u32 $0xF7A, s1;
	s8 =	simm.s32 @!p0 $0x1BF5;
	p2 =	por !p2, p0  }
0x20: {  	[sflag:s8] =	ssyncset.s32 @!p0 $0xFFFFF086;
	s6 =	sadd.s32 @!p0 s3, s7;
	s7 =	simm.s32 @!p0 $0x108  }
0x21: {  	s3 =	sadd.s32 s3, s9;
	s6 =	sadd.s32 @!p0 $0x88, s6;
	s7 =	simm.s32 @p2 $0x1082  }
0x22: {  	[simem:s7], [sflag:s8] =	dma.local @!p0 [hbm:s6], $0xF7A  }
0x23: {  	s9 =	sor.u32 $0xD0000000, s2;
	s6 =	simm.s32 $0x108;
	_ =	swait.ge @!p0 [sflag:s8], $0x0  }
0x24: {  	s3 =	sadd.s32 $0x88, s3;
	s6 =	simm.s32 @!p1 $0x1082;
	[sflag:s4] =	ssyncset.s32 $0xFFFFF086  }
0x25: {  	[simem:s6], [sflag:s4] =	dma.local [hbm:s3], $0xF7A  }
0x26: {  	[smem:$0x3F9B] =	sst s1;
	(tag) =	ssettag s2;
	_ =	strace s9  }
0x27: {  	s1 =	sld [smem:$0x3FAB]  }
0x28: {  	s2 =	sld [smem:$0x3FAC]  }
0x29: {  	s4 =	sld [smem:$0x3FAE]  }
0x2a: {  	p0 =	seq.s32 s5, $0x0;
	s5 =	sld [smem:$0x3FAF]  }
0x2b: {  	s6 =	sld [smem:$0x3FB0]  }
0x2c: {  	s7 =	sld [smem:$0x3FB1]  }
0x2d: {  	s3 =	simm.s32 $0x108;
	s8 =	sld [smem:$0x3FB2]  }
0x2e: {  	s3 =	simm.s32 @!p0 $0x1082;
	s9 =	sld [smem:$0x3FB3]  }
0x2f: {  	lr =	sadd.s32 s0, s3;
	s0 =	sld [smem:$0x3FAA]  }
0x30: {  	s3 =	sld [smem:$0x3FAD]  }
0x31: {  	[smem:$0x3FB6] =	sst s10  }
0x32: {  	s10 =	sld [smem:$0x3FB4];
	_ =	sdelay $0x3  }
0x33: {  	p0 =	seq.s32 s10, $0x1;
	s10 =	sld [smem:$0x3FB6];
	_ =	sdelay $0x3  }
0x34: {  	[smem:$0x3FB6] =	sst s10  }
0x35: {  	s10 =	sld [smem:$0x3FB5];
	_ =	sdelay $0x3  }
0x36: {  	p1 =	seq.s32 s10, $0x1;
	s10 =	sld [smem:$0x3FB6];
	_ =	sdelay $0x3  }
0x37: {  	[smem:$0x3FB6] =	sst s10  }
0x38: {  	s10 =	sld [smem:$0x3FB7]  }
0x39: {  	_ = 	snop;
	(pc) =	sbr.ind lr, $3  }
0x3a: {  	_ = 	snop  }
0x3b: {  	_ = 	snop  }
0x3c: {  	p2 =	seq.s32 s10, $0x1;
	s10 =	sld [smem:$0x3FB6]  }
0x3d: {  	_ =	shalt  }
0x3e: {  	_ =	shalt  }
0x3f: {  	_ =	shalt  }
0x40: {  	_ =	shalt  }
0x41: {  	_ =	shalt  }
0x42: {  	_ =	shalt  }
0x43: {  	_ =	shalt  }
0x44: {  	_ =	shalt  }
0x45: {  	_ =	shalt  }
0x46: {  	_ =	shalt  }
0x47: {  	_ =	shalt  }
0x48: {  	_ =	shalt  }
0x49: {  	_ =	shalt  }
0x4a: {  	_ =	shalt  }
0x4b: {  	_ =	shalt  }
0x4c: {  	_ =	shalt  }
0x4d: {  	_ =	shalt  }
0x4e: {  	_ =	shalt  }
0x4f: {  	_ =	shalt  }
0x50: {  	_ =	shalt  }
0x51: {  	_ =	shalt  }
0x52: {  	_ =	shalt  }
0x53: {  	_ =	shalt  }
0x54: {  	_ =	shalt  }
0x55: {  	_ =	shalt  }
0x56: {  	_ =	shalt  }
0x57: {  	_ =	shalt  }
0x58: {  	_ =	shalt  }
0x59: {  	_ =	shalt  }
0x5a: {  	_ =	shalt  }
0x5b: {  	_ =	shalt  }
0x5c: {  	_ =	shalt  }
0x5d: {  	_ =	shalt  }
0x5e: {  	_ =	shalt  }
0x5f: {  	_ =	shalt  }
0x60: {  	_ =	shalt  }
0x61: {  	_ =	shalt  }
0x62: {  	_ =	shalt  }
0x63: {  	_ =	shalt  }
0x64: {  	_ =	shalt  }
0x65: {  	_ =	shalt  }
0x66: {  	_ =	shalt  }
0x67: {  	_ =	shalt  }
0x68: {  	_ =	shalt  }
0x69: {  	_ =	shalt  }
0x6a: {  	_ =	shalt  }
0x6b: {  	_ =	shalt  }
0x6c: {  	_ =	shalt  }
0x6d: {  	_ =	shalt  }
0x6e: {  	_ =	shalt  }
0x6f: {  	_ =	shalt  }
0x70: {  	_ =	shalt  }
0x71: {  	_ =	shalt  }
0x72: {  	_ =	shalt  }
0x73: {  	_ =	shalt  }
0x74: {  	_ =	shalt  }
0x75: {  	_ =	shalt  }
0x76: {  	_ =	shalt  }
0x77: {  	_ =	shalt  }
0x78: {  	_ =	shalt  }
0x79: {  	_ =	shalt  }
0x7a: {  	_ =	shalt  }
0x7b: {  	_ =	shalt  }
0x7c: {  	_ =	shalt  }
0x7d: {  	_ =	shalt  }
0x7e: {  	_ =	shalt  }
0x7f: {  	_ =	shalt  }
0x80: {  	_ =	shalt  }
0x81: {  	_ =	shalt  }
0x82: {  	_ =	shalt  }
0x83: {  	_ =	shalt  }
0x84: {  	_ =	shalt  }
0x85: {  	_ =	shalt  }
0x86: {  	_ =	shalt  }
0x87: {  	_ =	shalt  }
.Lfunc_end0:
.L_simem_size_0:
called_computation.1_lowered:
.L_overlay_start_0:
0x88: {  	s2 =	sld [smem:$0x3FD9]  }
0x89: {  	s3 =	sld [smem:$0x3FFE];
	_ =	sdelay $0x1  }
0x8a: {  	s1 =	srdreg.scid  }
0x8b: {  	s0 =	sand.u32 $0x1, s1  }
0x8c: {  	s16 =	sshll.u32 s0, $0xA;
	s2 =	sadd.s32 s3, s2  }
0x8d: {  	s2 =	sadd.s32 s2, s16  }
0x8e: {  	[smem:$0x3FC2] =	sst s2  }
0x8f: {  	_ = 	snop  }
0x90: {  	(tm) =	ssettm $0x1  }
0x91: {  	s17 =	sld [smem:$0x3FFB];
	_ =	sdelay $0x3  }
0x92: {  	_ =	strace s17  }
0x93: {  	s2 =	sld [smem:$0x3FFC];
	_ =	sdelay $0x3  }
0x94: {  	_ =	strace s2  }
0x95: {  	s2 =	sld [smem:$0x3FFD];
	_ =	sdelay $0x3  }
0x96: {  	_ =	strace s2  }
0x97: {  	_ =	strace $0x8FFFFFFF  }
0x98: {  	s18 =	sld [smem:$0x3FDB];
	_ =	sdelay $0x1  }
0x99: {  	s19 =	simm.s32 $_scs_section_size  }
0x9a: {  	s4 =	simm.s32 $_size__tile_overlayer_lowered;
	s5 =	simm.s32 $_tile_overlayer_lowered  }
0x9b: {  	s22 =	simm.s32 $0x1BFF;
	s21 =	sshll.u32 s5, $0x1;
	s2 =	sadd.s32 s19, s18  }
0x9c: {  	s6 =	simm.s32 $0x0;
	s20 =	sshll.u32 s4, $0x1;
	s4 =	sadd.s32 s21, s2  }
0x9d: {  	[timem:s6], [sflag:s22] =	dma.local [hbm:s4], s20  }
0x9e: {  	_ =	swait.ge [sflag:s22], s20  }
0x9f: {  	s3 =	ssub.s32 $0x0, s20;
	[sflag:s22] =	ssyncset.done $0x0  }
0xa0: {  	[sflag:s22] =	ssyncadd.s32 s3;
	_ =	sdelay $0x1  }
0xa1: {  	s23 =	simm.s32 $0x1B8B  }
0xa2: {  	_ =	swait.ge [sflag:s23], $0x1  }
0xa3: {  	[sflag:s23] =	ssyncset.done $0x0  }
0xa4: {  	s25 =	simm.s32 $0x1B8E;
	s24 =	sld [smem:$0x3FFE];
	[sflag:s23] =	ssyncadd.s32 $0xFFFFFFFF  }
0xa5: {  	s26 =	simm.s32 $execute0_lowered;
	[smem:$0x3FD2] =	sst s25  }
0xa6: {  	s4 =	sshll.u32 s26, $0x1;
	_ =	strace $0x80000049;
	[dreg:$0x1] =	wrdreg $0xFFFFFFFF  }
0xa7: {  	s28 =	simm.s32 $_size_execute0_lowered;
	s2 =	sadd.s32 s2, s4;
	[dreg:$0x0] =	wrdreg $0x0  }
0xa8: {  	s4 =	sshll.u32 s28, $0x1;
	[dreg:$0x2] =	wrdreg s2  }
0xa9: {  	[dreg:$0x3] =	wrdreg s4  }
0xaa: {  	[dreg:$0x4] =	wrdreg $0xC0  }
0xab: {  	_ =	task [dreg:s6], $0x5FFFF  }
0xac: {  	[dreg:$0x1] =	wrdreg $0xFFFFFFFF  }
0xad: {  	[dreg:$0x0] =	wrdreg $0x60  }
0xae: {  	[dreg:$0x2] =	wrdreg s24  }
0xaf: {  	[dreg:$0x3] =	wrdreg $0x0  }
0xb0: {  	[dreg:$0x4] =	wrdreg $0x9  }
0xb1: {  	_ =	task.clear_ibuf [dreg:s6], $0x5FFFF;
	_ =	strace $0x90000049  }
0xb2: {  	s29 =	simm.s32 $0x9;
	_ =	strace $0x8000004B  }
0xb3: {  	_ =	swait.ge [sflag:s29], $0x1  }
0xb4: {  	[sflag:s29] =	ssyncadd.s32 $0xFFFFFFFF  }
0xb5: {  	_ =	strace $0x9000004B  }
0xb6: {  	_ =	sfence  }
0xb7: {  	s30 =	sld [smem:$0x0];
	_ =	sdelay $0x2  }
0xb8: {  	s31 =	sshll.u32 s1, $0xD;
	s1 =	sshrl.u32 s1, $0x2  }
0xb9: {  	s3 =	sand.u32 $0x4000, s31;
	s1 =	sadd.s32 s1, s30  }
0xba: {  	s0 =	sor.u32 s3, s0;
	s1 =	sshll.u32 s1, $0x11  }
0xbb: {  	s0 =	sor.u32 s1, s0  }
0xbc: {  	s0 =	sadd.s32 $0x8F2B, s0  }
0xbd: {  	[sflag:s0] =	ssyncadd.remote.s32 $0x1  }
0xbe: {  	_ =	sfence.sel $0xFFFF  }
0xbf: {  	[dreg:$0x0] =	wrdreg $0xFFFFFFFF;
	(pc) =	sbr.abs _section_cstart, $3  }
0xc0: {  	[dreg:$0x1] =	wrdreg $0xFFFFFFFF  }
0xc1: {  	_ =	task.clear_ibuf [dreg:s6], $0x2FFFF;
	_ =	strace $0x9FFFFFFF  }
0xc2: {  	(tm) =	ssettm $0x7FFFFFFF  }
0xc3: {  	_ =	shalt  }
tec
execute0_lowered:
.L_overlay_start_1:
0x0: {  	(tag) =	ssettag $0x1  }
0x1: {  	s0 =	rddreg [dreg:$0x0];
	s1 =	srdreg.scid  }
0x2: {  	s2 =	rddreg [dreg:$0x1];
	s9 =	stileid.u32;
	s5 =	simm.s32 $0x0  }
0x3: {  	s12 =	simm.s32 $0xB;
	s13 =	simm.s32 $0xA000;
	s14 =	simm.s32 $0xEE20  }
0x4: {  	s15 =	simm.s32 $0x50;
	s16 =	simm.s32 $0x13C40;
	s18 =	simm.s32 $0x15040  }
0x5: {  	s20 =	simm.s32 $0x16440;
	s29 =	simm.s32 $0x2;
	s31 =	simm.s32 $0x7  }
0x6: {  	s19 =	simm.s32 $0x8;
	s30 =	simm.s32 $0x9;
	s17 =	simm.s32 $0x5  }
0x7: {  	s28 =	simm.s32 $0xA;
	s1 =	sand.u32 $0x1, s1;
	s4 =	smul.u32 $0x9C4, s9  }
0x8: {  	[smem:$0x7FF] =	sst s5;
	s6 =	smul.u32 $0xA000, s9;
	s26 =	sshll.u32 s9, $0x6  }
0x9: {  	s3 =	smul.u32 $0xA0000, s1;
	_ =	strace $0x8000004A;
	s1 =	ssub.s32 $0x2, s1  }
0xa: {  	s5 =	sor.u32 $0x1C0B, s26;
	s26 =	simm.s32 $0x6;
	s7 =	sadd.s32 s4, s0  }
0xb: {  	s23 =	sshrl.u32 s6, $0x3;
	s24 =	sshrl.u32 s1, $0x1;
	s25 =	sadd.s32 s6, s2  }
0xc: {  	s22 =	sshrl.u32 s3, $0x3;
	s3 =	sadd.s32 s6, s3;
	s4 =	sadd.s32 s23, s0  }
0xd: {  	s1 =	ssub.s32 s1, s24;
	s6 =	sadd.s32 $0x1AC00, s7;
	s7 =	sadd.s32 $0x10E00, s7  }
0xe: {  	s11 =	sshrl.u32 s25, $0x3;
	s24 =	simm.s32 $0x18C40;
	s25 =	simm.s32 $0x1  }
0xf: {  	s23 =	simm.s32 $0x4;
	s8 =	sadd.s32 s22, s0;
	s3 =	sshrl.u32 s3, $0x3  }
0x10: {  	s4 =	sadd.s32 $0x4CA00, s4;
	s10 =	smax.u32 s1, $0x1;
	s22 =	simm.s32 $0x17840  }
0x11: {  	s1 =	simm.s32 $0x3;
	s0 =	sadd.s32 s3, s0;
	[dreg:$0x3] =	wrdreg s4  }
0x12: {  	s8 =	sadd.s32 $0x24A00, s8;
	s9 =	sadd.s32 $0x60A00, s0;
	s0 =	simm.s32 $0x0  }
.LBB2_1:
0x13: {  	s3 =	rddreg [dreg:$0x3]  }
0x14: {  	[spmem:s11], [sflag:s5] =	dma.local [hbm:s3], $0x1400  }
0x15: {  	_ =	swait.ge [sflag:s12], $0x1400  }
0x16: {  	[sflag:s12] =	ssyncset.done $0x0  }
0x17: {  	s4 =	simm.s32 $0x0;
	[sflag:s12] =	ssyncadd.s32 $0xFFFFEC00  }
0x18: {  	[tilespmem:s13], [sflag:$0xB] =	stream.linear.gather [hbm4b:s6+s4], $0x4E20, $0x38;
	[tilespmem:$0x1A040] =	vst v63  }
0x19: {  	_ =	swait.ge [sflag:s12], $0x4E20  }
0x1a: {  	[sflag:s12] =	ssyncset.done $0x0  }
0x1b: {  	[sflag:s12] =	ssyncadd.s32 $0xFFFFB1E0  }
0x1c: {  	[tilespmem:s14], [sflag:$0xB] =	stream.linear.gather [hbm4b:s7+s4], $0x4E20, $0x38;
	[tilespmem:$0x1A040] =	vst v63  }
0x1d: {  	_ =	swait.ge [sflag:s12], $0x4E20  }
0x1e: {  	[sflag:s12] =	ssyncset.done $0x0  }
0x1f: {  	[sflag:s12] =	ssyncadd.s32 $0xFFFFB1E0  }
0x20: {  	[bflag:$0x0] =	sbarrier.arrive $0xFFFF  }
0x21: {  	[tilespmem:s16], [sflag:$0x1] =	stream.indirect.gather [hbm4b:s8+s15], $0x40, s13, s15, $0xb8;
	[tilespmem:$0x1A040] =	vst v63  }
0x22: {  	s21 =	simm.s32 $0xA050  }
0x23: {  	[tilespmem:s18], [sflag:$0x2] =	stream.indirect.gather [hbm4b:s8+s15], $0x40, s21, s15, $0xb8;
	[tilespmem:$0x1A040] =	vst v63  }
0x24: {  	s4 =	simm.s32 $0xA0A0  }
0x25: {  	[tilespmem:s20], [sflag:$0x3] =	stream.indirect.gather [hbm4b:s8+s15], $0x40, s4, s15, $0xb8;
	[tilespmem:$0x1A040] =	vst v63  }
0x26: {  	s21 =	simm.s32 $0xA0F0  }
0x27: {  	[tilespmem:s22], [sflag:$0x4] =	stream.indirect.gather [hbm4b:s8+s15], $0x40, s21, s15, $0xb8;
	[tilespmem:$0x1A040] =	vst v63  }
0x28: {  	s4 =	simm.s32 $0xA140  }
0x29: {  	[tilespmem:s24], [sflag:$0x5] =	stream.indirect.gather [hbm4b:s8+s15], $0x40, s4, s15, $0xb8;
	[tilespmem:$0x1A040] =	vst v63  }
0x2a: {  	_ =	swait.ge [sflag:s25], $0x1400  }
0x2b: {  	[sflag:s25] =	ssyncset.done $0x0  }
0x2c: {  	[sflag:s25] =	ssyncadd.s32 $0xFFFFEC00  }
0x2d: {  	[spmem:s2] =	stream.indirect.scatter.add.f32 [tilespmem:s16], [sflag:$0x6], $0x40, s14, s15, $0xb8;
	[tilespmem:$0x1A040] =	vst v63  }
0x2e: {  	_ =	swait.ge [sflag:s26], $0x1400  }
0x2f: {  	[sflag:s26] =	ssyncset.done $0x0  }
0x30: {  	s21 =	simm.s32 $0xA190;
	[sflag:s26] =	ssyncadd.s32 $0xFFFFEC00  }
0x31: {  	[tilespmem:s16], [sflag:$0x1] =	stream.indirect.gather [hbm4b:s8+s15], $0x40, s21, s15, $0xb8;
	[tilespmem:$0x1A040] =	vst v63  }
0x32: {  	_ =	swait.ge [sflag:s29], $0x1400  }
0x33: {  	[sflag:s29] =	ssyncset.done $0x0  }
0x34: {  	s4 =	simm.s32 $0xEE70;
	[sflag:s29] =	ssyncadd.s32 $0xFFFFEC00  }
0x35: {  	[spmem:s2] =	stream.indirect.scatter.add.f32 [tilespmem:s18], [sflag:$0x7], $0x40, s4, s15, $0xb8;
	[tilespmem:$0x1A040] =	vst v63  }
0x36: {  	_ =	swait.ge [sflag:s31], $0x1400  }
0x37: {  	[sflag:s31] =	ssyncset.done $0x0  }
0x38: {  	s21 =	simm.s32 $0xA1E0;
	[sflag:s31] =	ssyncadd.s32 $0xFFFFEC00  }
0x39: {  	[tilespmem:s18], [sflag:$0x2] =	stream.indirect.gather [hbm4b:s8+s15], $0x40, s21, s15, $0xb8;
	[tilespmem:$0x1A040] =	vst v63  }
0x3a: {  	_ =	swait.ge [sflag:s1], $0x1400  }
0x3b: {  	[sflag:s1] =	ssyncset.done $0x0  }
0x3c: {  	s4 =	simm.s32 $0xEEC0;
	[sflag:s1] =	ssyncadd.s32 $0xFFFFEC00  }
0x3d: {  	[spmem:s2] =	stream.indirect.scatter.add.f32 [tilespmem:s20], [sflag:$0x8], $0x40, s4, s15, $0xb8;
	[tilespmem:$0x1A040] =	vst v63  }
0x3e: {  	_ =	swait.ge [sflag:s19], $0x1400  }
0x3f: {  	[sflag:s19] =	ssyncset.done $0x0  }
0x40: {  	s21 =	simm.s32 $0xA230;
	[sflag:s19] =	ssyncadd.s32 $0xFFFFEC00  }
0x41: {  	[tilespmem:s20], [sflag:$0x3] =	stream.indirect.gather [hbm4b:s8+s15], $0x40, s21, s15, $0xb8;
	[tilespmem:$0x1A040] =	vst v63  }
0x42: {  	_ =	swait.ge [sflag:s23], $0x1400  }
0x43: {  	[sflag:s23] =	ssyncset.done $0x0  }
0x44: {  	s4 =	simm.s32 $0xEF10;
	[sflag:s23] =	ssyncadd.s32 $0xFFFFEC00  }
0x45: {  	[spmem:s2] =	stream.indirect.scatter.add.f32 [tilespmem:s22], [sflag:$0x9], $0x40, s4, s15, $0xb8;
	[tilespmem:$0x1A040] =	vst v63  }
0x46: {  	_ =	swait.ge [sflag:s30], $0x1400  }
0x47: {  	[sflag:s30] =	ssyncset.done $0x0  }
0x48: {  	s21 =	simm.s32 $0xA280;
	[sflag:s30] =	ssyncadd.s32 $0xFFFFEC00  }
0x49: {  	[tilespmem:s22], [sflag:$0x4] =	stream.indirect.gather [hbm4b:s8+s15], $0x40, s21, s15, $0xb8;
	[tilespmem:$0x1A040] =	vst v63  }
0x4a: {  	_ =	swait.ge [sflag:s17], $0x1400  }
0x4b: {  	[sflag:s17] =	ssyncset.done $0x0  }
0x4c: {  	s4 =	simm.s32 $0xEF60;
	[sflag:s17] =	ssyncadd.s32 $0xFFFFEC00  }
0x4d: {  	[spmem:s2] =	stream.indirect.scatter.add.f32 [tilespmem:s24], [sflag:$0xA], $0x40, s4, s15, $0xb8;
	[tilespmem:$0x1A040] =	vst v63  }
0x4e: {  	_ =	swait.ge [sflag:s28], $0x1400  }
0x4f: {  	[sflag:s28] =	ssyncset.done $0x0  }
0x50: {  	s21 =	simm.s32 $0xA2D0;
	[sflag:s28] =	ssyncadd.s32 $0xFFFFEC00  }
0x51: {  	[tilespmem:s24], [sflag:$0x5] =	stream.indirect.gather [hbm4b:s8+s15], $0x40, s21, s15, $0xb8;
	[tilespmem:$0x1A040] =	vst v63  }
0x52: {  	_ =	swait.ge [sflag:s25], $0x1400  }
0x53: {  	[sflag:s25] =	ssyncset.done $0x0  }
0x54: {  	s4 =	simm.s32 $0xEFB0;
	[sflag:s25] =	ssyncadd.s32 $0xFFFFEC00  }
0x55: {  	[spmem:s2] =	stream.indirect.scatter.add.f32 [tilespmem:s16], [sflag:$0x6], $0x40, s4, s15, $0xb8;
	[tilespmem:$0x1A040] =	vst v63  }
0x56: {  	_ =	swait.ge [sflag:s26], $0x1400  }
0x57: {  	[sflag:s26] =	ssyncset.done $0x0  }
0x58: {  	s21 =	simm.s32 $0xA320;
	[sflag:s26] =	ssyncadd.s32 $0xFFFFEC00  }
0x59: {  	[tilespmem:s16], [sflag:$0x1] =	stream.indirect.gather [hbm4b:s8+s15], $0x40, s21, s15, $0xb8;
	[tilespmem:$0x1A040] =	vst v63  }
0x5a: {  	_ =	swait.ge [sflag:s29], $0x1400  }
0x5b: {  	[sflag:s29] =	ssyncset.done $0x0  }
0x5c: {  	s4 =	simm.s32 $0xF000;
	[sflag:s29] =	ssyncadd.s32 $0xFFFFEC00  }
0x5d: {  	[spmem:s2] =	stream.indirect.scatter.add.f32 [tilespmem:s18], [sflag:$0x7], $0x40, s4, s15, $0xb8;
	[tilespmem:$0x1A040] =	vst v63  }
0x5e: {  	_ =	swait.ge [sflag:s31], $0x1400  }
0x5f: {  	[sflag:s31] =	ssyncset.done $0x0  }
0x60: {  	s21 =	simm.s32 $0xA370;
	[sflag:s31] =	ssyncadd.s32 $0xFFFFEC00  }
0x61: {  	[tilespmem:s18], [sflag:$0x2] =	stream.indirect.gather [hbm4b:s8+s15], $0x40, s21, s15, $0xb8;
	[tilespmem:$0x1A040] =	vst v63  }
0x62: {  	_ =	swait.ge [sflag:s1], $0x1400  }
0x63: {  	[sflag:s1] =	ssyncset.done $0x0  }
0x64: {  	s4 =	simm.s32 $0xF050;
	[sflag:s1] =	ssyncadd.s32 $0xFFFFEC00  }
0x65: {  	[spmem:s2] =	stream.indirect.scatter.add.f32 [tilespmem:s20], [sflag:$0x8], $0x40, s4, s15, $0xb8;
	[tilespmem:$0x1A040] =	vst v63  }
0x66: {  	_ =	swait.ge [sflag:s19], $0x1400  }
0x67: {  	[sflag:s19] =	ssyncset.done $0x0  }
0x68: {  	s21 =	simm.s32 $0xA3C0;
	[sflag:s19] =	ssyncadd.s32 $0xFFFFEC00  }
0x69: {  	[tilespmem:s20], [sflag:$0x3] =	stream.indirect.gather [hbm4b:s8+s15], $0x40, s21, s15, $0xb8;
	[tilespmem:$0x1A040] =	vst v63  }
0x6a: {  	_ =	swait.ge [sflag:s23], $0x1400  }
0x6b: {  	[sflag:s23] =	ssyncset.done $0x0  }
0x6c: {  	s4 =	simm.s32 $0xF0A0;
	[sflag:s23] =	ssyncadd.s32 $0xFFFFEC00  }
0x6d: {  	[spmem:s2] =	stream.indirect.scatter.add.f32 [tilespmem:s22], [sflag:$0x9], $0x40, s4, s15, $0xb8;
	[tilespmem:$0x1A040] =	vst v63  }
0x6e: {  	_ =	swait.ge [sflag:s30], $0x1400  }
0x6f: {  	[sflag:s30] =	ssyncset.done $0x0  }
0x70: {  	s21 =	simm.s32 $0xA410;
	[sflag:s30] =	ssyncadd.s32 $0xFFFFEC00  }
0x71: {  	[tilespmem:s22], [sflag:$0x4] =	stream.indirect.gather [hbm4b:s8+s15], $0x40, s21, s15, $0xb8;
	[tilespmem:$0x1A040] =	vst v63  }
0x72: {  	_ =	swait.ge [sflag:s17], $0x1400  }
0x73: {  	[sflag:s17] =	ssyncset.done $0x0  }
0x74: {  	s3 =	simm.s32 $0xF0F0;
	s21 =	simm.s32 $0x640;
	[sflag:s17] =	ssyncadd.s32 $0xFFFFEC00  }
.LBB2_2:
0x75: {  	[spmem:s2] =	stream.indirect.scatter.add.f32 [tilespmem:s24], [sflag:$0xA], $0x40, s3, s15, $0xb8;
	[tilespmem:$0x1A040] =	vst v63  }
0x76: {  	s3 =	smov.u32 s21;
	s21 =	sadd.s32 $0x640, s21;
	_ =	swait.ge [sflag:s28], $0x1400  }
0x77: {  	s3 =	sshra.s32 s3, $0x2;
	p0 =	sne.s32 s21, $0x12C00;
	[sflag:s28] =	ssyncset.done $0x0  }
0x78: {  	s4 =	sadd.s32 $0xA2D0, s3;
	[sflag:s28] =	ssyncadd.s32 $0xFFFFEC00  }
0x79: {  	[tilespmem:s24], [sflag:$0x5] =	stream.indirect.gather [hbm4b:s8+s15], $0x40, s4, s15, $0xb8;
	[tilespmem:$0x1A040] =	vst v63  }
0x7a: {  	_ =	swait.ge [sflag:s25], $0x1400  }
0x7b: {  	[sflag:s25] =	ssyncset.done $0x0  }
0x7c: {  	s4 =	sadd.s32 $0xEFB0, s3;
	[sflag:s25] =	ssyncadd.s32 $0xFFFFEC00  }
0x7d: {  	[spmem:s2] =	stream.indirect.scatter.add.f32 [tilespmem:s16], [sflag:$0x6], $0x40, s4, s15, $0xb8;
	[tilespmem:$0x1A040] =	vst v63  }
0x7e: {  	_ =	swait.ge [sflag:s26], $0x1400  }
0x7f: {  	[sflag:s26] =	ssyncset.done $0x0  }
0x80: {  	s4 =	sadd.s32 $0xA320, s3;
	[sflag:s26] =	ssyncadd.s32 $0xFFFFEC00  }
0x81: {  	[tilespmem:s16], [sflag:$0x1] =	stream.indirect.gather [hbm4b:s8+s15], $0x40, s4, s15, $0xb8;
	[tilespmem:$0x1A040] =	vst v63  }
0x82: {  	_ =	swait.ge [sflag:s29], $0x1400  }
0x83: {  	[sflag:s29] =	ssyncset.done $0x0  }
0x84: {  	s4 =	sadd.s32 $0xF000, s3;
	[sflag:s29] =	ssyncadd.s32 $0xFFFFEC00  }
0x85: {  	[spmem:s2] =	stream.indirect.scatter.add.f32 [tilespmem:s18], [sflag:$0x7], $0x40, s4, s15, $0xb8;
	[tilespmem:$0x1A040] =	vst v63  }
0x86: {  	_ =	swait.ge [sflag:s31], $0x1400  }
0x87: {  	[sflag:s31] =	ssyncset.done $0x0  }
0x88: {  	s4 =	sadd.s32 $0xA370, s3;
	[sflag:s31] =	ssyncadd.s32 $0xFFFFEC00  }
0x89: {  	[tilespmem:s18], [sflag:$0x2] =	stream.indirect.gather [hbm4b:s8+s15], $0x40, s4, s15, $0xb8;
	[tilespmem:$0x1A040] =	vst v63  }
0x8a: {  	_ =	swait.ge [sflag:s1], $0x1400  }
0x8b: {  	[sflag:s1] =	ssyncset.done $0x0  }
0x8c: {  	s4 =	sadd.s32 $0xF050, s3;
	[sflag:s1] =	ssyncadd.s32 $0xFFFFEC00  }
0x8d: {  	[spmem:s2] =	stream.indirect.scatter.add.f32 [tilespmem:s20], [sflag:$0x8], $0x40, s4, s15, $0xb8;
	[tilespmem:$0x1A040] =	vst v63  }
0x8e: {  	_ =	swait.ge [sflag:s19], $0x1400  }
0x8f: {  	[sflag:s19] =	ssyncset.done $0x0  }
0x90: {  	s4 =	sadd.s32 $0xA3C0, s3;
	[sflag:s19] =	ssyncadd.s32 $0xFFFFEC00  }
0x91: {  	[tilespmem:s20], [sflag:$0x3] =	stream.indirect.gather [hbm4b:s8+s15], $0x40, s4, s15, $0xb8;
	[tilespmem:$0x1A040] =	vst v63  }
0x92: {  	_ =	swait.ge [sflag:s23], $0x1400  }
0x93: {  	[sflag:s23] =	ssyncset.done $0x0  }
0x94: {  	s4 =	sadd.s32 $0xF0A0, s3;
	[sflag:s23] =	ssyncadd.s32 $0xFFFFEC00  }
0x95: {  	[spmem:s2] =	stream.indirect.scatter.add.f32 [tilespmem:s22], [sflag:$0x9], $0x40, s4, s15, $0xb8;
	[tilespmem:$0x1A040] =	vst v63  }
0x96: {  	_ =	swait.ge [sflag:s30], $0x1400  }
0x97: {  	[sflag:s30] =	ssyncset.done $0x0  }
.Ltmp0:
0x98: {  	s4 =	sadd.s32 $0xA410, s3;
	[sflag:s30] =	ssyncadd.s32 $0xFFFFEC00;
	(pc) =	sbr.rel @p0 .LBB2_2-.Ltmp0, $4  }
0x99: {  	[tilespmem:s22], [sflag:$0x4] =	stream.indirect.gather [hbm4b:s8+s15], $0x40, s4, s15, $0xb8;
	[tilespmem:$0x1A040] =	vst v63  }
0x9a: {  	_ =	swait.ge [sflag:s17], $0x1400  }
0x9b: {  	[sflag:s17] =	ssyncset.done $0x0  }
0x9c: {  	s3 =	sadd.s32 $0xF0F0, s3;
	[sflag:s17] =	ssyncadd.s32 $0xFFFFEC00  }
0x9d: {  	[spmem:s2] =	stream.indirect.scatter.add.f32 [tilespmem:s24], [sflag:$0xA], $0x40, s3, s15, $0xb8;
	[tilespmem:$0x1A040] =	vst v63  }
0x9e: {  	_ =	swait.ge [sflag:s28], $0x1400  }
0x9f: {  	s3 =	sshra.s32 s21, $0x2;
	[sflag:s28] =	ssyncset.done $0x0  }
0xa0: {  	s4 =	sadd.s32 $0xA2D0, s3;
	[sflag:s28] =	ssyncadd.s32 $0xFFFFEC00  }
0xa1: {  	[tilespmem:s24], [sflag:$0x5] =	stream.indirect.gather [hbm4b:s8+s15], $0x40, s4, s15, $0xb8;
	[tilespmem:$0x1A040] =	vst v63  }
0xa2: {  	_ =	swait.ge [sflag:s25], $0x1400  }
0xa3: {  	[sflag:s25] =	ssyncset.done $0x0  }
0xa4: {  	s21 =	sadd.s32 $0xEFB0, s3;
	[sflag:s25] =	ssyncadd.s32 $0xFFFFEC00  }
0xa5: {  	[spmem:s2] =	stream.indirect.scatter.add.f32 [tilespmem:s16], [sflag:$0x6], $0x40, s21, s15, $0xb8;
	[tilespmem:$0x1A040] =	vst v63  }
0xa6: {  	_ =	swait.ge [sflag:s26], $0x1400  }
0xa7: {  	[sflag:s26] =	ssyncset.done $0x0  }
0xa8: {  	[sflag:s26] =	ssyncadd.s32 $0xFFFFEC00  }
0xa9: {  	_ =	swait.ge [sflag:s29], $0x1400  }
0xaa: {  	[sflag:s29] =	ssyncset.done $0x0  }
0xab: {  	s21 =	sadd.s32 $0xF000, s3;
	[sflag:s29] =	ssyncadd.s32 $0xFFFFEC00  }
0xac: {  	[spmem:s2] =	stream.indirect.scatter.add.f32 [tilespmem:s18], [sflag:$0x7], $0x40, s21, s15, $0xb8;
	[tilespmem:$0x1A040] =	vst v63  }
0xad: {  	_ =	swait.ge [sflag:s31], $0x1400  }
0xae: {  	[sflag:s31] =	ssyncset.done $0x0  }
0xaf: {  	[sflag:s31] =	ssyncadd.s32 $0xFFFFEC00  }
0xb0: {  	_ =	swait.ge [sflag:s1], $0x1400  }
0xb1: {  	[sflag:s1] =	ssyncset.done $0x0  }
0xb2: {  	s21 =	sadd.s32 $0xF050, s3;
	[sflag:s1] =	ssyncadd.s32 $0xFFFFEC00  }
0xb3: {  	[spmem:s2] =	stream.indirect.scatter.add.f32 [tilespmem:s20], [sflag:$0x8], $0x40, s21, s15, $0xb8;
	[tilespmem:$0x1A040] =	vst v63  }
0xb4: {  	_ =	swait.ge [sflag:s19], $0x1400  }
0xb5: {  	[sflag:s19] =	ssyncset.done $0x0  }
0xb6: {  	[sflag:s19] =	ssyncadd.s32 $0xFFFFEC00  }
0xb7: {  	_ =	swait.ge [sflag:s23], $0x1400  }
0xb8: {  	[sflag:s23] =	ssyncset.done $0x0  }
0xb9: {  	s21 =	sadd.s32 $0xF0A0, s3;
	[sflag:s23] =	ssyncadd.s32 $0xFFFFEC00  }
0xba: {  	[spmem:s2] =	stream.indirect.scatter.add.f32 [tilespmem:s22], [sflag:$0x9], $0x40, s21, s15, $0xb8;
	[tilespmem:$0x1A040] =	vst v63  }
0xbb: {  	_ =	swait.ge [sflag:s30], $0x1400  }
0xbc: {  	[sflag:s30] =	ssyncset.done $0x0  }
0xbd: {  	[sflag:s30] =	ssyncadd.s32 $0xFFFFEC00  }
0xbe: {  	_ =	swait.ge [sflag:s17], $0x1400  }
0xbf: {  	[sflag:s17] =	ssyncset.done $0x0  }
0xc0: {  	s3 =	sadd.s32 $0xF0F0, s3;
	[sflag:s17] =	ssyncadd.s32 $0xFFFFEC00  }
0xc1: {  	[spmem:s2] =	stream.indirect.scatter.add.f32 [tilespmem:s24], [sflag:$0xA], $0x40, s3, s15, $0xb8;
	[tilespmem:$0x1A040] =	vst v63  }
0xc2: {  	_ =	swait.ge [sflag:s28], $0x1400  }
0xc3: {  	s0 =	sadd.s32 $0x1, s0;
	[sflag:s28] =	ssyncset.done $0x0  }
0xc4: {  	p0 =	sne.s32 s0, s10;
	[sflag:s28] =	ssyncadd.s32 $0xFFFFEC00  }
.Ltmp1:
0xc5: {  	[bflag:$0x0] =	sbarrier.arrive $0xFFFF;
	(pc) =	sbr.rel @p0 .LBB2_1-.Ltmp1, $4  }
0xc6: {  	[hbm:s9], [sflag:s5] =	dma.local [spmem:s11], $0x1400  }
0xc7: {  	_ =	swait.ge [sflag:s12], $0x1400  }
0xc8: {  	[sflag:s12] =	ssyncset.done $0x0  }
0xc9: {  	[sflag:s12] =	ssyncadd.s32 $0xFFFFEC00  }
0xca: {  	_ =	sfence.sel $0x180000  }
0xcb: {  	[bflag:$0x0] =	sbarrier.arrive $0xFFFF  }
0xcc: {  	_ =	strace $0x9000004A  }
0xcd: {  	s0 =	stileid.u32;
	[bflag:$0x2] =	sbarrier.arrive $0xFFFF  }
0xce: {  	p0 =	sne.s32 s0, $0x0;
	s0 =	rddreg [dreg:$0x2]  }
0xcf: {  	s0 =	sadd.s32 @!p0 $0x100000, s0  }
0xd0: {  	[sflag:s0] =	ssyncadd.tile.s32 @!p0 $0x1;
	_ =	shalt  }
.Lfunc_end2:
_tile_overlayer_lowered:
.L_overlay_start_2:
0xd1: {  	(tag) =	ssettag $0x2  }
0xd2: {  	s0 =	rddreg [dreg:$0x0];
	s2 =	stileid.u32  }
0xd3: {  	s1 =	rddreg [dreg:$0x1];
	p0 =	sne.s32 s2, $0x0  }
0xd4: {  	s3 =	rddreg [dreg:$0x2];
	[bflag:$0x3] =	sbarrier.arrive $0xFFFF;
	s2 =	simm.s32 @!p0 $0x1C0B  }
0xd5: {  	[timem:s3], [sflag:s2] =	dma.local @!p0 [hbm:s0], s1  }
0xd6: {  	s0 =	simm.s32 @!p0 $0xB  }
0xd7: {  	_ =	swait.ge @!p0 [sflag:s0], s1  }
0xd8: {  	s1 =	ssub.s32 @!p0 $0x0, s1;
	[sflag:s0] =	ssyncset.done @!p0 $0x0  }
0xd9: {  	[sflag:s0] =	ssyncadd.s32 @!p0 s1  }
0xda: {  	[bflag:$0x3] =	sbarrier.arrive $0xFFFF  }
0xdb: {  	_ =	shalt  }

// kernel: kernel.14.cloned.1.call-start
scs
__scs_entry_jumppad:
0x0: {  	(pc) =	sbr.rel $0x88, $3  }
0x1: {  	(tag) =	ssettag $0x0;
	lr =	simm.s32 $0x1  }
0x2: {  	[smem:$0x3F9B] =	sst lr;
	_ =	strace $0xD0000000  }
0x3: {  	_ = 	snop  }
0x4: {  	_ = 	snop  }
0x5: {  	_ = 	snop  }
0x6: {  	_ = 	snop  }
0x7: {  	_ = 	snop  }
__scs_overlays_trampoline_lowered:
0x8: {  	[smem:$0x3FAA] =	sst s0  }
0x9: {  	[smem:$0x3FAB] =	sst s1  }
0xa: {  	[smem:$0x3FAC] =	sst s2  }
0xb: {  	[smem:$0x3FAD] =	sst s3  }
0xc: {  	[smem:$0x3FAE] =	sst s4  }
0xd: {  	[smem:$0x3FAF] =	sst s5  }
0xe: {  	[smem:$0x3FB0] =	sst s6  }
0xf: {  	[smem:$0x3FB1] =	sst s7  }
0x10: {  	[smem:$0x3FB2] =	sst s8  }
0x11: {  	[smem:$0x3FB3] =	sst s9;
	s0 =	simm.s32 @!p0 $0x0  }
0x12: {  	s1 =	sld [smem:$0x3F99];
	s0 =	simm.s32 @p0 $0x1  }
0x13: {  	[smem:$0x3FB4] =	sst s0;
	s0 =	simm.s32 @!p1 $0x0  }
0x14: {  	s2 =	sld [smem:$0x3F98];
	s0 =	simm.s32 @p1 $0x1  }
0x15: {  	[smem:$0x3FB5] =	sst s0;
	s0 =	simm.s32 @!p2 $0x0  }
0x16: {  	s3 =	sld [smem:$0x3FDB];
	s0 =	simm.s32 @p2 $0x1  }
0x17: {  	s4 =	simm.s32 $0x1BF5;
	[smem:$0x3FB7] =	sst s0  }
0x18: {  	s0 =	sld [smem:$0x3F9A];
	_ =	swait.ge [sflag:s4], $0x0  }
0x19: {  	s7 =	sld [smem:$0x3F9B]  }
0x1a: {  	s8 =	sadd.s32 $0xFFFFE003, lr  }
0x1b: {  	s9 =	sadd.s32 $0xFFFFFEF7, lr;
	s5 =	simm.s32 $0xFFFFFFFF;
	p2 =	slt.u32 s8, $0xFFFFF086  }
0x1c: {  	p1 =	slt.u32 s9, $0xF7A;
	s5 =	simm.s32 @!p2 $0x0  }
0x1d: {  	s5 =	simm.s32 @p1 $0x1;
	p0 =	seq.s32 s7, s2  }
0x1e: {  	s7 =	smul.u32 @!p0 $0xF7A, s2;
	p2 =	seq.s32 @!p0 s5, $0x0  }
0x1f: {  	s9 =	smul.u32 $0xF7A, s1;
	s8 =	simm.s32 @!p0 $0x1BF5;
	p2 =	por !p2, p0  }
0x20: {  	[sflag:s8] =	ssyncset.s32 @!p0 $0xFFFFF086;
	s6 =	sadd.s32 @!p0 s3, s7;
	s7 =	simm.s32 @!p0 $0x108  }
0x21: {  	s3 =	sadd.s32 s3, s9;
	s6 =	sadd.s32 @!p0 $0x88, s6;
	s7 =	simm.s32 @p2 $0x1082  }
0x22: {  	[simem:s7], [sflag:s8] =	dma.local @!p0 [hbm:s6], $0xF7A  }
0x23: {  	s9 =	sor.u32 $0xD0000000, s2;
	s6 =	simm.s32 $0x108;
	_ =	swait.ge @!p0 [sflag:s8], $0x0  }
0x24: {  	s3 =	sadd.s32 $0x88, s3;
	s6 =	simm.s32 @!p1 $0x1082;
	[sflag:s4] =	ssyncset.s32 $0xFFFFF086  }
0x25: {  	[simem:s6], [sflag:s4] =	dma.local [hbm:s3], $0xF7A  }
0x26: {  	[smem:$0x3F9B] =	sst s1;
	(tag) =	ssettag s2;
	_ =	strace s9  }
0x27: {  	s1 =	sld [smem:$0x3FAB]  }
0x28: {  	s2 =	sld [smem:$0x3FAC]  }
0x29: {  	s4 =	sld [smem:$0x3FAE]  }
0x2a: {  	p0 =	seq.s32 s5, $0x0;
	s5 =	sld [smem:$0x3FAF]  }
0x2b: {  	s6 =	sld [smem:$0x3FB0]  }
0x2c: {  	s7 =	sld [smem:$0x3FB1]  }
0x2d: {  	s3 =	simm.s32 $0x108;
	s8 =	sld [smem:$0x3FB2]  }
0x2e: {  	s3 =	simm.s32 @!p0 $0x1082;
	s9 =	sld [smem:$0x3FB3]  }
0x2f: {  	lr =	sadd.s32 s0, s3;
	s0 =	sld [smem:$0x3FAA]  }
0x30: {  	s3 =	sld [smem:$0x3FAD]  }
0x31: {  	[smem:$0x3FB6] =	sst s10  }
0x32: {  	s10 =	sld [smem:$0x3FB4];
	_ =	sdelay $0x3  }
0x33: {  	p0 =	seq.s32 s10, $0x1;
	s10 =	sld [smem:$0x3FB6];
	_ =	sdelay $0x3  }
0x34: {  	[smem:$0x3FB6] =	sst s10  }
0x35: {  	s10 =	sld [smem:$0x3FB5];
	_ =	sdelay $0x3  }
0x36: {  	p1 =	seq.s32 s10, $0x1;
	s10 =	sld [smem:$0x3FB6];
	_ =	sdelay $0x3  }
0x37: {  	[smem:$0x3FB6] =	sst s10  }
0x38: {  	s10 =	sld [smem:$0x3FB7]  }
0x39: {  	_ = 	snop;
	(pc) =	sbr.ind lr, $3  }
0x3a: {  	_ = 	snop  }
0x3b: {  	_ = 	snop  }
0x3c: {  	p2 =	seq.s32 s10, $0x1;
	s10 =	sld [smem:$0x3FB6]  }
0x3d: {  	_ =	shalt  }
0x3e: {  	_ =	shalt  }
0x3f: {  	_ =	shalt  }
0x40: {  	_ =	shalt  }
0x41: {  	_ =	shalt  }
0x42: {  	_ =	shalt  }
0x43: {  	_ =	shalt  }
0x44: {  	_ =	shalt  }
0x45: {  	_ =	shalt  }
0x46: {  	_ =	shalt  }
0x47: {  	_ =	shalt  }
0x48: {  	_ =	shalt  }
0x49: {  	_ =	shalt  }
0x4a: {  	_ =	shalt  }
0x4b: {  	_ =	shalt  }
0x4c: {  	_ =	shalt  }
0x4d: {  	_ =	shalt  }
0x4e: {  	_ =	shalt  }
0x4f: {  	_ =	shalt  }
0x50: {  	_ =	shalt  }
0x51: {  	_ =	shalt  }
0x52: {  	_ =	shalt  }
0x53: {  	_ =	shalt  }
0x54: {  	_ =	shalt  }
0x55: {  	_ =	shalt  }
0x56: {  	_ =	shalt  }
0x57: {  	_ =	shalt  }
0x58: {  	_ =	shalt  }
0x59: {  	_ =	shalt  }
0x5a: {  	_ =	shalt  }
0x5b: {  	_ =	shalt  }
0x5c: {  	_ =	shalt  }
0x5d: {  	_ =	shalt  }
0x5e: {  	_ =	shalt  }
0x5f: {  	_ =	shalt  }
0x60: {  	_ =	shalt  }
0x61: {  	_ =	shalt  }
0x62: {  	_ =	shalt  }
0x63: {  	_ =	shalt  }
0x64: {  	_ =	shalt  }
0x65: {  	_ =	shalt  }
0x66: {  	_ =	shalt  }
0x67: {  	_ =	shalt  }
0x68: {  	_ =	shalt  }
0x69: {  	_ =	shalt  }
0x6a: {  	_ =	shalt  }
0x6b: {  	_ =	shalt  }
0x6c: {  	_ =	shalt  }
0x6d: {  	_ =	shalt  }
0x6e: {  	_ =	shalt  }
0x6f: {  	_ =	shalt  }
0x70: {  	_ =	shalt  }
0x71: {  	_ =	shalt  }
0x72: {  	_ =	shalt  }
0x73: {  	_ =	shalt  }
0x74: {  	_ =	shalt  }
0x75: {  	_ =	shalt  }
0x76: {  	_ =	shalt  }
0x77: {  	_ =	shalt  }
0x78: {  	_ =	shalt  }
0x79: {  	_ =	shalt  }
0x7a: {  	_ =	shalt  }
0x7b: {  	_ =	shalt  }
0x7c: {  	_ =	shalt  }
0x7d: {  	_ =	shalt  }
0x7e: {  	_ =	shalt  }
0x7f: {  	_ =	shalt  }
0x80: {  	_ =	shalt  }
0x81: {  	_ =	shalt  }
0x82: {  	_ =	shalt  }
0x83: {  	_ =	shalt  }
0x84: {  	_ =	shalt  }
0x85: {  	_ =	shalt  }
0x86: {  	_ =	shalt  }
0x87: {  	_ =	shalt  }
.Lfunc_end0:
.L_simem_size_0:
called_computation.2_lowered:
.L_overlay_start_0:
0x88: {  	s2 =	sld [smem:$0x3FD9]  }
0x89: {  	s3 =	sld [smem:$0x3FFE];
	_ =	sdelay $0x1  }
0x8a: {  	s1 =	srdreg.scid  }
0x8b: {  	s0 =	sand.u32 $0x1, s1  }
0x8c: {  	s17 =	sshll.u32 s0, $0xA;
	s2 =	sadd.s32 s3, s2  }
0x8d: {  	s2 =	sadd.s32 s2, s17  }
0x8e: {  	[smem:$0x3FC2] =	sst s2  }
0x8f: {  	_ = 	snop  }
0x90: {  	s2 =	sld [smem:$0x3FD0];
	(tm) =	ssettm $0x1  }
0x91: {  	s18 =	sld [smem:$0x3FFB];
	_ =	sdelay $0x3  }
0x92: {  	_ =	strace s18  }
0x93: {  	s3 =	sld [smem:$0x3FFC];
	_ =	sdelay $0x3  }
0x94: {  	_ =	strace s3  }
0x95: {  	s3 =	sld [smem:$0x3FFD];
	_ =	sdelay $0x3  }
0x96: {  	_ =	strace s3  }
0x97: {  	_ =	strace $0x8FFFFFFF  }
0x98: {  	s19 =	sld [smem:$0x3FDB];
	_ =	sdelay $0x1  }
0x99: {  	s4 =	simm.s32 $_scs_section_size  }
0x9a: {  	s5 =	simm.s32 $_size__tile_overlayer_lowered;
	s6 =	simm.s32 $_tile_overlayer_lowered  }
0x9b: {  	s22 =	simm.s32 $0x1BFF;
	s21 =	sshll.u32 s6, $0x1;
	s3 =	sadd.s32 s4, s19  }
0x9c: {  	s7 =	simm.s32 $0x0;
	s20 =	sshll.u32 s5, $0x1;
	s5 =	sadd.s32 s21, s3  }
0x9d: {  	[timem:s7], [sflag:s22] =	dma.local [hbm:s5], s20  }
0x9e: {  	_ =	swait.ge [sflag:s22], s20  }
0x9f: {  	s4 =	ssub.s32 $0x0, s20;
	[sflag:s22] =	ssyncset.done $0x0  }
0xa0: {  	[sflag:s22] =	ssyncadd.s32 s4;
	_ =	sdelay $0x1  }
0xa1: {  	s23 =	simm.s32 $0x1B8B  }
0xa2: {  	_ =	swait.ge [sflag:s23], $0x1  }
0xa3: {  	[sflag:s23] =	ssyncset.done $0x0  }
0xa4: {  	s25 =	simm.s32 $0x1B8E;
	s24 =	sld [smem:$0x3FFE];
	[sflag:s23] =	ssyncadd.s32 $0xFFFFFFFF  }
0xa5: {  	s26 =	simm.s32 $execute0_lowered;
	[smem:$0x3FD2] =	sst s25  }
0xa6: {  	s5 =	sshll.u32 s26, $0x1;
	_ =	strace $0x8000004C;
	[dreg:$0x1] =	wrdreg $0xFFFFFFFF  }
0xa7: {  	s28 =	simm.s32 $_size_execute0_lowered;
	s3 =	sadd.s32 s3, s5;
	[dreg:$0x0] =	wrdreg $0x0  }
0xa8: {  	s5 =	sshll.u32 s28, $0x1;
	[dreg:$0x2] =	wrdreg s3  }
0xa9: {  	[dreg:$0x3] =	wrdreg s5  }
0xaa: {  	[dreg:$0x4] =	wrdreg $0xC0  }
0xab: {  	_ =	task [dreg:s7], $0x5FFFF  }
0xac: {  	[dreg:$0x1] =	wrdreg $0xFFFFFFFF  }
0xad: {  	[dreg:$0x0] =	wrdreg $0x60  }
0xae: {  	[dreg:$0x2] =	wrdreg s24  }
0xaf: {  	[dreg:$0x3] =	wrdreg s2  }
0xb0: {  	[dreg:$0x4] =	wrdreg $0x0  }
0xb1: {  	[dreg:$0x5] =	wrdreg $0x9  }
0xb2: {  	_ =	task.clear_ibuf [dreg:s7], $0x6FFFF;
	_ =	strace $0x9000004C  }
0xb3: {  	s29 =	simm.s32 $0x9;
	_ =	strace $0x8000004E  }
0xb4: {  	_ =	swait.ge [sflag:s29], $0x1  }
0xb5: {  	[sflag:s29] =	ssyncadd.s32 $0xFFFFFFFF  }
0xb6: {  	_ =	strace $0x9000004E  }
0xb7: {  	_ =	sfence  }
0xb8: {  	s30 =	sld [smem:$0x0];
	_ =	sdelay $0x2  }
0xb9: {  	s31 =	sshll.u32 s1, $0xD;
	s1 =	sshrl.u32 s1, $0x2  }
0xba: {  	s3 =	sand.u32 $0x4000, s31;
	s1 =	sadd.s32 s1, s30  }
0xbb: {  	s0 =	sor.u32 s3, s0;
	s1 =	sshll.u32 s1, $0x11  }
0xbc: {  	s0 =	sor.u32 s1, s0  }
0xbd: {  	s0 =	sadd.s32 $0x8F2B, s0  }
0xbe: {  	[sflag:s0] =	ssyncadd.remote.s32 $0x1  }
0xbf: {  	_ =	sfence.sel $0xFFFF  }
0xc0: {  	[dreg:$0x0] =	wrdreg $0xFFFFFFFF;
	(pc) =	sbr.abs _section_cstart, $3  }
0xc1: {  	[dreg:$0x1] =	wrdreg $0xFFFFFFFF  }
0xc2: {  	_ =	task.clear_ibuf [dreg:s7], $0x2FFFF;
	_ =	strace $0x9FFFFFFF  }
0xc3: {  	(tm) =	ssettm $0x7FFFFFFF  }
tec
execute0_lowered:
.L_overlay_start_1:
0x0: {  	(tag) =	ssettag $0x1  }
0x1: {  	s0 =	rddreg [dreg:$0x0]  }
0x2: {  	s2 =	rddreg [dreg:$0x1]  }
0x3: {  	s1 =	rddreg [dreg:$0x2];
	s3 =	srdreg.scid;
	s5 =	simm.s32 $0x0  }
0x4: {  	s9 =	stileid.u32;
	s12 =	simm.s32 $0xB;
	s13 =	simm.s32 $0x5000  }
0x5: {  	s14 =	simm.s32 $0x9E20;
	s15 =	simm.s32 $0x50;
	s16 =	simm.s32 $0xEC40  }
0x6: {  	s18 =	simm.s32 $0xF640;
	s20 =	simm.s32 $0x10040;
	s22 =	simm.s32 $0x10A40  }
0x7: {  	s29 =	simm.s32 $0x2;
	s31 =	simm.s32 $0x7;
	s19 =	simm.s32 $0x8  }
0x8: {  	s30 =	simm.s32 $0x9;
	s17 =	simm.s32 $0x5;
	s23 =	smul.u32 $0x5000, s9  }
0x9: {  	s28 =	simm.s32 $0xA;
	s3 =	sand.u32 $0x1, s3;
	s7 =	smul.u32 $0x9C4, s9  }
0xa: {  	[smem:$0x7FF] =	sst s5;
	s26 =	sshll.u32 s9, $0x6;
	s4 =	smul.u32 $0x50000, s3  }
0xb: {  	_ =	strace $0x8000004D;
	s3 =	ssub.s32 $0x2, s3;
	s5 =	sor.u32 $0x1C0B, s26  }
0xc: {  	s26 =	simm.s32 $0x6;
	s7 =	sadd.s32 s7, s0;
	s24 =	sshrl.u32 s3, $0x1  }
0xd: {  	s25 =	sshrl.u32 s23, $0x3;
	s11 =	sadd.s32 s23, s1;
	s6 =	sshrl.u32 s4, $0x3  }
0xe: {  	s4 =	sadd.s32 s23, s4;
	s3 =	ssub.s32 s3, s24;
	s2 =	sadd.s32 s2, s25  }
0xf: {  	s11 =	sshrl.u32 s11, $0x3;
	s24 =	simm.s32 $0x11440;
	s25 =	simm.s32 $0x1  }
0x10: {  	s23 =	simm.s32 $0x4;
	s8 =	sadd.s32 s6, s0;
	s4 =	sshrl.u32 s4, $0x3  }
0x11: {  	[dreg:$0x4] =	wrdreg s2;
	s6 =	sadd.s32 $0x1AC00, s7;
	s7 =	sadd.s32 $0x10E00, s7  }
0x12: {  	s10 =	smax.u32 s3, $0x1;
	s2 =	simm.s32 $0x3;
	s0 =	sadd.s32 s4, s0  }
0x13: {  	s8 =	sadd.s32 $0x24A00, s8;
	s9 =	sadd.s32 $0x38A00, s0;
	s0 =	simm.s32 $0x0  }
.LBB2_1:
0x14: {  	s3 =	rddreg [dreg:$0x4]  }
0x15: {  	[spmem:s11], [sflag:s5] =	dma.local [hbm:s3], $0xA00  }
0x16: {  	_ =	swait.ge [sflag:s12], $0xA00  }
0x17: {  	[sflag:s12] =	ssyncset.done $0x0  }
0x18: {  	s4 =	simm.s32 $0x0;
	[sflag:s12] =	ssyncadd.s32 $0xFFFFF600  }
0x19: {  	[tilespmem:s13], [sflag:$0xB] =	stream.linear.gather [hbm4b:s6+s4], $0x4E20, $0x38;
	[tilespmem:$0x11E40] =	vst v63  }
0x1a: {  	_ =	swait.ge [sflag:s12], $0x4E20  }
0x1b: {  	[sflag:s12] =	ssyncset.done $0x0  }
0x1c: {  	[sflag:s12] =	ssyncadd.s32 $0xFFFFB1E0  }
0x1d: {  	[tilespmem:s14], [sflag:$0xB] =	stream.linear.gather [hbm4b:s7+s4], $0x4E20, $0x38;
	[tilespmem:$0x11E40] =	vst v63  }
0x1e: {  	_ =	swait.ge [sflag:s12], $0x4E20  }
0x1f: {  	[sflag:s12] =	ssyncset.done $0x0  }
0x20: {  	[sflag:s12] =	ssyncadd.s32 $0xFFFFB1E0  }
0x21: {  	[bflag:$0x0] =	sbarrier.arrive $0xFFFF  }
0x22: {  	[tilespmem:s16], [sflag:$0x1] =	stream.indirect.gather [hbm4b:s8+s15], $0x20, s13, s15, $0xb8;
	[tilespmem:$0x11E40] =	vst v63  }
0x23: {  	s21 =	simm.s32 $0x5050  }
0x24: {  	[tilespmem:s18], [sflag:$0x2] =	stream.indirect.gather [hbm4b:s8+s15], $0x20, s21, s15, $0xb8;
	[tilespmem:$0x11E40] =	vst v63  }
0x25: {  	s4 =	simm.s32 $0x50A0  }
0x26: {  	[tilespmem:s20], [sflag:$0x3] =	stream.indirect.gather [hbm4b:s8+s15], $0x20, s4, s15, $0xb8;
	[tilespmem:$0x11E40] =	vst v63  }
0x27: {  	s21 =	simm.s32 $0x50F0  }
0x28: {  	[tilespmem:s22], [sflag:$0x4] =	stream.indirect.gather [hbm4b:s8+s15], $0x20, s21, s15, $0xb8;
	[tilespmem:$0x11E40] =	vst v63  }
0x29: {  	s4 =	simm.s32 $0x5140  }
0x2a: {  	[tilespmem:s24], [sflag:$0x5] =	stream.indirect.gather [hbm4b:s8+s15], $0x20, s4, s15, $0xb8;
	[tilespmem:$0x11E40] =	vst v63  }
0x2b: {  	_ =	swait.ge [sflag:s25], $0xA00  }
0x2c: {  	[sflag:s25] =	ssyncset.done $0x0  }
0x2d: {  	[sflag:s25] =	ssyncadd.s32 $0xFFFFF600  }
0x2e: {  	[spmem:s1] =	stream.indirect.scatter.add.f32 [tilespmem:s16], [sflag:$0x6], $0x20, s14, s15, $0xb8;
	[tilespmem:$0x11E40] =	vst v63  }
0x2f: {  	_ =	swait.ge [sflag:s26], $0xA00  }
0x30: {  	[sflag:s26] =	ssyncset.done $0x0  }
0x31: {  	s21 =	simm.s32 $0x5190;
	[sflag:s26] =	ssyncadd.s32 $0xFFFFF600  }
0x32: {  	[tilespmem:s16], [sflag:$0x1] =	stream.indirect.gather [hbm4b:s8+s15], $0x20, s21, s15, $0xb8;
	[tilespmem:$0x11E40] =	vst v63  }
0x33: {  	_ =	swait.ge [sflag:s29], $0xA00  }
0x34: {  	[sflag:s29] =	ssyncset.done $0x0  }
0x35: {  	s4 =	simm.s32 $0x9E70;
	[sflag:s29] =	ssyncadd.s32 $0xFFFFF600  }
0x36: {  	[spmem:s1] =	stream.indirect.scatter.add.f32 [tilespmem:s18], [sflag:$0x7], $0x20, s4, s15, $0xb8;
	[tilespmem:$0x11E40] =	vst v63  }
0x37: {  	_ =	swait.ge [sflag:s31], $0xA00  }
0x38: {  	[sflag:s31] =	ssyncset.done $0x0  }
0x39: {  	s21 =	simm.s32 $0x51E0;
	[sflag:s31] =	ssyncadd.s32 $0xFFFFF600  }
0x3a: {  	[tilespmem:s18], [sflag:$0x2] =	stream.indirect.gather [hbm4b:s8+s15], $0x20, s21, s15, $0xb8;
	[tilespmem:$0x11E40] =	vst v63  }
0x3b: {  	_ =	swait.ge [sflag:s2], $0xA00  }
0x3c: {  	[sflag:s2] =	ssyncset.done $0x0  }
0x3d: {  	s4 =	simm.s32 $0x9EC0;
	[sflag:s2] =	ssyncadd.s32 $0xFFFFF600  }
0x3e: {  	[spmem:s1] =	stream.indirect.scatter.add.f32 [tilespmem:s20], [sflag:$0x8], $0x20, s4, s15, $0xb8;
	[tilespmem:$0x11E40] =	vst v63  }
0x3f: {  	_ =	swait.ge [sflag:s19], $0xA00  }
0x40: {  	[sflag:s19] =	ssyncset.done $0x0  }
0x41: {  	s21 =	simm.s32 $0x5230;
	[sflag:s19] =	ssyncadd.s32 $0xFFFFF600  }
0x42: {  	[tilespmem:s20], [sflag:$0x3] =	stream.indirect.gather [hbm4b:s8+s15], $0x20, s21, s15, $0xb8;
	[tilespmem:$0x11E40] =	vst v63  }
0x43: {  	_ =	swait.ge [sflag:s23], $0xA00  }
0x44: {  	[sflag:s23] =	ssyncset.done $0x0  }
0x45: {  	s4 =	simm.s32 $0x9F10;
	[sflag:s23] =	ssyncadd.s32 $0xFFFFF600  }
0x46: {  	[spmem:s1] =	stream.indirect.scatter.add.f32 [tilespmem:s22], [sflag:$0x9], $0x20, s4, s15, $0xb8;
	[tilespmem:$0x11E40] =	vst v63  }
0x47: {  	_ =	swait.ge [sflag:s30], $0xA00  }
0x48: {  	[sflag:s30] =	ssyncset.done $0x0  }
0x49: {  	s21 =	simm.s32 $0x5280;
	[sflag:s30] =	ssyncadd.s32 $0xFFFFF600  }
0x4a: {  	[tilespmem:s22], [sflag:$0x4] =	stream.indirect.gather [hbm4b:s8+s15], $0x20, s21, s15, $0xb8;
	[tilespmem:$0x11E40] =	vst v63  }
0x4b: {  	_ =	swait.ge [sflag:s17], $0xA00  }
0x4c: {  	[sflag:s17] =	ssyncset.done $0x0  }
0x4d: {  	s4 =	simm.s32 $0x9F60;
	[sflag:s17] =	ssyncadd.s32 $0xFFFFF600  }
0x4e: {  	[spmem:s1] =	stream.indirect.scatter.add.f32 [tilespmem:s24], [sflag:$0xA], $0x20, s4, s15, $0xb8;
	[tilespmem:$0x11E40] =	vst v63  }
0x4f: {  	_ =	swait.ge [sflag:s28], $0xA00  }
0x50: {  	[sflag:s28] =	ssyncset.done $0x0  }
0x51: {  	s21 =	simm.s32 $0x52D0;
	[sflag:s28] =	ssyncadd.s32 $0xFFFFF600  }
0x52: {  	[tilespmem:s24], [sflag:$0x5] =	stream.indirect.gather [hbm4b:s8+s15], $0x20, s21, s15, $0xb8;
	[tilespmem:$0x11E40] =	vst v63  }
0x53: {  	_ =	swait.ge [sflag:s25], $0xA00  }
0x54: {  	[sflag:s25] =	ssyncset.done $0x0  }
0x55: {  	s4 =	simm.s32 $0x9FB0;
	[sflag:s25] =	ssyncadd.s32 $0xFFFFF600  }
0x56: {  	[spmem:s1] =	stream.indirect.scatter.add.f32 [tilespmem:s16], [sflag:$0x6], $0x20, s4, s15, $0xb8;
	[tilespmem:$0x11E40] =	vst v63  }
0x57: {  	_ =	swait.ge [sflag:s26], $0xA00  }
0x58: {  	[sflag:s26] =	ssyncset.done $0x0  }
0x59: {  	s21 =	simm.s32 $0x5320;
	[sflag:s26] =	ssyncadd.s32 $0xFFFFF600  }
0x5a: {  	[tilespmem:s16], [sflag:$0x1] =	stream.indirect.gather [hbm4b:s8+s15], $0x20, s21, s15, $0xb8;
	[tilespmem:$0x11E40] =	vst v63  }
0x5b: {  	_ =	swait.ge [sflag:s29], $0xA00  }
0x5c: {  	[sflag:s29] =	ssyncset.done $0x0  }
0x5d: {  	s4 =	simm.s32 $0xA000;
	[sflag:s29] =	ssyncadd.s32 $0xFFFFF600  }
0x5e: {  	[spmem:s1] =	stream.indirect.scatter.add.f32 [tilespmem:s18], [sflag:$0x7], $0x20, s4, s15, $0xb8;
	[tilespmem:$0x11E40] =	vst v63  }
0x5f: {  	_ =	swait.ge [sflag:s31], $0xA00  }
0x60: {  	[sflag:s31] =	ssyncset.done $0x0  }
0x61: {  	s21 =	simm.s32 $0x5370;
	[sflag:s31] =	ssyncadd.s32 $0xFFFFF600  }
0x62: {  	[tilespmem:s18], [sflag:$0x2] =	stream.indirect.gather [hbm4b:s8+s15], $0x20, s21, s15, $0xb8;
	[tilespmem:$0x11E40] =	vst v63  }
0x63: {  	_ =	swait.ge [sflag:s2], $0xA00  }
0x64: {  	[sflag:s2] =	ssyncset.done $0x0  }
0x65: {  	s4 =	simm.s32 $0xA050;
	[sflag:s2] =	ssyncadd.s32 $0xFFFFF600  }
0x66: {  	[spmem:s1] =	stream.indirect.scatter.add.f32 [tilespmem:s20], [sflag:$0x8], $0x20, s4, s15, $0xb8;
	[tilespmem:$0x11E40] =	vst v63  }
0x67: {  	_ =	swait.ge [sflag:s19], $0xA00  }
0x68: {  	[sflag:s19] =	ssyncset.done $0x0  }
0x69: {  	s21 =	simm.s32 $0x53C0;
	[sflag:s19] =	ssyncadd.s32 $0xFFFFF600  }
0x6a: {  	[tilespmem:s20], [sflag:$0x3] =	stream.indirect.gather [hbm4b:s8+s15], $0x20, s21, s15, $0xb8;
	[tilespmem:$0x11E40] =	vst v63  }
0x6b: {  	_ =	swait.ge [sflag:s23], $0xA00  }
0x6c: {  	[sflag:s23] =	ssyncset.done $0x0  }
0x6d: {  	s4 =	simm.s32 $0xA0A0;
	[sflag:s23] =	ssyncadd.s32 $0xFFFFF600  }
0x6e: {  	[spmem:s1] =	stream.indirect.scatter.add.f32 [tilespmem:s22], [sflag:$0x9], $0x20, s4, s15, $0xb8;
	[tilespmem:$0x11E40] =	vst v63  }
0x6f: {  	_ =	swait.ge [sflag:s30], $0xA00  }
0x70: {  	[sflag:s30] =	ssyncset.done $0x0  }
0x71: {  	s21 =	simm.s32 $0x5410;
	[sflag:s30] =	ssyncadd.s32 $0xFFFFF600  }
0x72: {  	[tilespmem:s22], [sflag:$0x4] =	stream.indirect.gather [hbm4b:s8+s15], $0x20, s21, s15, $0xb8;
	[tilespmem:$0x11E40] =	vst v63  }
0x73: {  	_ =	swait.ge [sflag:s17], $0xA00  }
0x74: {  	[sflag:s17] =	ssyncset.done $0x0  }
0x75: {  	s3 =	simm.s32 $0xA0F0;
	s21 =	simm.s32 $0x640;
	[sflag:s17] =	ssyncadd.s32 $0xFFFFF600  }
.LBB2_2:
0x76: {  	[spmem:s1] =	stream.indirect.scatter.add.f32 [tilespmem:s24], [sflag:$0xA], $0x20, s3, s15, $0xb8;
	[tilespmem:$0x11E40] =	vst v63  }
0x77: {  	s3 =	smov.u32 s21;
	s21 =	sadd.s32 $0x640, s21;
	_ =	swait.ge [sflag:s28], $0xA00  }
0x78: {  	s3 =	sshra.s32 s3, $0x2;
	p0 =	sne.s32 s21, $0x12C00;
	[sflag:s28] =	ssyncset.done $0x0  }
0x79: {  	s4 =	sadd.s32 $0x52D0, s3;
	[sflag:s28] =	ssyncadd.s32 $0xFFFFF600  }
0x7a: {  	[tilespmem:s24], [sflag:$0x5] =	stream.indirect.gather [hbm4b:s8+s15], $0x20, s4, s15, $0xb8;
	[tilespmem:$0x11E40] =	vst v63  }
0x7b: {  	_ =	swait.ge [sflag:s25], $0xA00  }
0x7c: {  	[sflag:s25] =	ssyncset.done $0x0  }
0x7d: {  	s4 =	sadd.s32 $0x9FB0, s3;
	[sflag:s25] =	ssyncadd.s32 $0xFFFFF600  }
0x7e: {  	[spmem:s1] =	stream.indirect.scatter.add.f32 [tilespmem:s16], [sflag:$0x6], $0x20, s4, s15, $0xb8;
	[tilespmem:$0x11E40] =	vst v63  }
0x7f: {  	_ =	swait.ge [sflag:s26], $0xA00  }
0x80: {  	[sflag:s26] =	ssyncset.done $0x0  }
0x81: {  	s4 =	sadd.s32 $0x5320, s3;
	[sflag:s26] =	ssyncadd.s32 $0xFFFFF600  }
0x82: {  	[tilespmem:s16], [sflag:$0x1] =	stream.indirect.gather [hbm4b:s8+s15], $0x20, s4, s15, $0xb8;
	[tilespmem:$0x11E40] =	vst v63  }
0x83: {  	_ =	swait.ge [sflag:s29], $0xA00  }
0x84: {  	[sflag:s29] =	ssyncset.done $0x0  }
0x85: {  	s4 =	sadd.s32 $0xA000, s3;
	[sflag:s29] =	ssyncadd.s32 $0xFFFFF600  }
0x86: {  	[spmem:s1] =	stream.indirect.scatter.add.f32 [tilespmem:s18], [sflag:$0x7], $0x20, s4, s15, $0xb8;
	[tilespmem:$0x11E40] =	vst v63  }
0x87: {  	_ =	swait.ge [sflag:s31], $0xA00  }
0x88: {  	[sflag:s31] =	ssyncset.done $0x0  }
0x89: {  	s4 =	sadd.s32 $0x5370, s3;
	[sflag:s31] =	ssyncadd.s32 $0xFFFFF600  }
0x8a: {  	[tilespmem:s18], [sflag:$0x2] =	stream.indirect.gather [hbm4b:s8+s15], $0x20, s4, s15, $0xb8;
	[tilespmem:$0x11E40] =	vst v63  }
0x8b: {  	_ =	swait.ge [sflag:s2], $0xA00  }
0x8c: {  	[sflag:s2] =	ssyncset.done $0x0  }
0x8d: {  	s4 =	sadd.s32 $0xA050, s3;
	[sflag:s2] =	ssyncadd.s32 $0xFFFFF600  }
0x8e: {  	[spmem:s1] =	stream.indirect.scatter.add.f32 [tilespmem:s20], [sflag:$0x8], $0x20, s4, s15, $0xb8;
	[tilespmem:$0x11E40] =	vst v63  }
0x8f: {  	_ =	swait.ge [sflag:s19], $0xA00  }
0x90: {  	[sflag:s19] =	ssyncset.done $0x0  }
0x91: {  	s4 =	sadd.s32 $0x53C0, s3;
	[sflag:s19] =	ssyncadd.s32 $0xFFFFF600  }
0x92: {  	[tilespmem:s20], [sflag:$0x3] =	stream.indirect.gather [hbm4b:s8+s15], $0x20, s4, s15, $0xb8;
	[tilespmem:$0x11E40] =	vst v63  }
0x93: {  	_ =	swait.ge [sflag:s23], $0xA00  }
0x94: {  	[sflag:s23] =	ssyncset.done $0x0  }
0x95: {  	s4 =	sadd.s32 $0xA0A0, s3;
	[sflag:s23] =	ssyncadd.s32 $0xFFFFF600  }
0x96: {  	[spmem:s1] =	stream.indirect.scatter.add.f32 [tilespmem:s22], [sflag:$0x9], $0x20, s4, s15, $0xb8;
	[tilespmem:$0x11E40] =	vst v63  }
0x97: {  	_ =	swait.ge [sflag:s30], $0xA00  }
0x98: {  	[sflag:s30] =	ssyncset.done $0x0  }
.Ltmp0:
0x99: {  	s4 =	sadd.s32 $0x5410, s3;
	[sflag:s30] =	ssyncadd.s32 $0xFFFFF600;
	(pc) =	sbr.rel @p0 .LBB2_2-.Ltmp0, $4  }
0x9a: {  	[tilespmem:s22], [sflag:$0x4] =	stream.indirect.gather [hbm4b:s8+s15], $0x20, s4, s15, $0xb8;
	[tilespmem:$0x11E40] =	vst v63  }
0x9b: {  	_ =	swait.ge [sflag:s17], $0xA00  }
0x9c: {  	[sflag:s17] =	ssyncset.done $0x0  }
0x9d: {  	s3 =	sadd.s32 $0xA0F0, s3;
	[sflag:s17] =	ssyncadd.s32 $0xFFFFF600  }
0x9e: {  	[spmem:s1] =	stream.indirect.scatter.add.f32 [tilespmem:s24], [sflag:$0xA], $0x20, s3, s15, $0xb8;
	[tilespmem:$0x11E40] =	vst v63  }
0x9f: {  	_ =	swait.ge [sflag:s28], $0xA00  }
0xa0: {  	s3 =	sshra.s32 s21, $0x2;
	[sflag:s28] =	ssyncset.done $0x0  }
0xa1: {  	s4 =	sadd.s32 $0x52D0, s3;
	[sflag:s28] =	ssyncadd.s32 $0xFFFFF600  }
0xa2: {  	[tilespmem:s24], [sflag:$0x5] =	stream.indirect.gather [hbm4b:s8+s15], $0x20, s4, s15, $0xb8;
	[tilespmem:$0x11E40] =	vst v63  }
0xa3: {  	_ =	swait.ge [sflag:s25], $0xA00  }
0xa4: {  	[sflag:s25] =	ssyncset.done $0x0  }
0xa5: {  	s21 =	sadd.s32 $0x9FB0, s3;
	[sflag:s25] =	ssyncadd.s32 $0xFFFFF600  }
0xa6: {  	[spmem:s1] =	stream.indirect.scatter.add.f32 [tilespmem:s16], [sflag:$0x6], $0x20, s21, s15, $0xb8;
	[tilespmem:$0x11E40] =	vst v63  }
0xa7: {  	_ =	swait.ge [sflag:s26], $0xA00  }
0xa8: {  	[sflag:s26] =	ssyncset.done $0x0  }
0xa9: {  	[sflag:s26] =	ssyncadd.s32 $0xFFFFF600  }
0xaa: {  	_ =	swait.ge [sflag:s29], $0xA00  }
0xab: {  	[sflag:s29] =	ssyncset.done $0x0  }
0xac: {  	s21 =	sadd.s32 $0xA000, s3;
	[sflag:s29] =	ssyncadd.s32 $0xFFFFF600  }
0xad: {  	[spmem:s1] =	stream.indirect.scatter.add.f32 [tilespmem:s18], [sflag:$0x7], $0x20, s21, s15, $0xb8;
	[tilespmem:$0x11E40] =	vst v63  }
0xae: {  	_ =	swait.ge [sflag:s31], $0xA00  }
0xaf: {  	[sflag:s31] =	ssyncset.done $0x0  }
0xb0: {  	[sflag:s31] =	ssyncadd.s32 $0xFFFFF600  }
0xb1: {  	_ =	swait.ge [sflag:s2], $0xA00  }
0xb2: {  	[sflag:s2] =	ssyncset.done $0x0  }
0xb3: {  	s21 =	sadd.s32 $0xA050, s3;
	[sflag:s2] =	ssyncadd.s32 $0xFFFFF600  }
0xb4: {  	[spmem:s1] =	stream.indirect.scatter.add.f32 [tilespmem:s20], [sflag:$0x8], $0x20, s21, s15, $0xb8;
	[tilespmem:$0x11E40] =	vst v63  }
0xb5: {  	_ =	swait.ge [sflag:s19], $0xA00  }
0xb6: {  	[sflag:s19] =	ssyncset.done $0x0  }
0xb7: {  	[sflag:s19] =	ssyncadd.s32 $0xFFFFF600  }
0xb8: {  	_ =	swait.ge [sflag:s23], $0xA00  }
0xb9: {  	[sflag:s23] =	ssyncset.done $0x0  }
0xba: {  	s21 =	sadd.s32 $0xA0A0, s3;
	[sflag:s23] =	ssyncadd.s32 $0xFFFFF600  }
0xbb: {  	[spmem:s1] =	stream.indirect.scatter.add.f32 [tilespmem:s22], [sflag:$0x9], $0x20, s21, s15, $0xb8;
	[tilespmem:$0x11E40] =	vst v63  }
0xbc: {  	_ =	swait.ge [sflag:s30], $0xA00  }
0xbd: {  	[sflag:s30] =	ssyncset.done $0x0  }
0xbe: {  	[sflag:s30] =	ssyncadd.s32 $0xFFFFF600  }
0xbf: {  	_ =	swait.ge [sflag:s17], $0xA00  }
0xc0: {  	[sflag:s17] =	ssyncset.done $0x0  }
0xc1: {  	s3 =	sadd.s32 $0xA0F0, s3;
	[sflag:s17] =	ssyncadd.s32 $0xFFFFF600  }
0xc2: {  	[spmem:s1] =	stream.indirect.scatter.add.f32 [tilespmem:s24], [sflag:$0xA], $0x20, s3, s15, $0xb8;
	[tilespmem:$0x11E40] =	vst v63  }
0xc3: {  	_ =	swait.ge [sflag:s28], $0xA00  }
0xc4: {  	s0 =	sadd.s32 $0x1, s0;
	[sflag:s28] =	ssyncset.done $0x0  }
0xc5: {  	p0 =	sne.s32 s0, s10;
	[sflag:s28] =	ssyncadd.s32 $0xFFFFF600  }
.Ltmp1:
0xc6: {  	[bflag:$0x0] =	sbarrier.arrive $0xFFFF;
	(pc) =	sbr.rel @p0 .LBB2_1-.Ltmp1, $4  }
0xc7: {  	[hbm:s9], [sflag:s5] =	dma.local [spmem:s11], $0xA00  }
0xc8: {  	_ =	swait.ge [sflag:s12], $0xA00  }
0xc9: {  	[sflag:s12] =	ssyncset.done $0x0  }
0xca: {  	[sflag:s12] =	ssyncadd.s32 $0xFFFFF600  }
0xcb: {  	_ =	sfence.sel $0x180000  }
0xcc: {  	[bflag:$0x0] =	sbarrier.arrive $0xFFFF  }
0xcd: {  	_ =	strace $0x9000004D  }
0xce: {  	s0 =	stileid.u32;
	[bflag:$0x2] =	sbarrier.arrive $0xFFFF  }
0xcf: {  	p0 =	sne.s32 s0, $0x0;
	s0 =	rddreg [dreg:$0x3]  }
0xd0: {  	s0 =	sadd.s32 @!p0 $0x100000, s0  }
0xd1: {  	[sflag:s0] =	ssyncadd.tile.s32 @!p0 $0x1;
	_ =	shalt  }
.Lfunc_end2:
_tile_overlayer_lowered:
.L_overlay_start_2:
0xd2: {  	(tag) =	ssettag $0x2  }
0xd3: {  	s0 =	rddreg [dreg:$0x0];
	s2 =	stileid.u32  }
0xd4: {  	s1 =	rddreg [dreg:$0x1];
	p0 =	sne.s32 s2, $0x0  }
0xd5: {  	s3 =	rddreg [dreg:$0x2];
	[bflag:$0x3] =	sbarrier.arrive $0xFFFF;
	s2 =	simm.s32 @!p0 $0x1C0B  }
0xd6: {  	[timem:s3], [sflag:s2] =	dma.local @!p0 [hbm:s0], s1  }
0xd7: {  	s0 =	simm.s32 @!p0 $0xB  }
0xd8: {  	_ =	swait.ge @!p0 [sflag:s0], s1  }
0xd9: {  	s1 =	ssub.s32 @!p0 $0x0, s1;
	[sflag:s0] =	ssyncset.done @!p0 $0x0  }
0xda: {  	[sflag:s0] =	ssyncadd.s32 @!p0 s1  }
0xdb: {  	[bflag:$0x3] =	sbarrier.arrive $0xFFFF  }
0xdc: {  	_ =	shalt  }

// kernel: kernel.8.cloned.1.call-start
scs
__scs_entry_jumppad:
0x0: {  	(pc) =	sbr.rel $0x88, $3  }
0x1: {  	(tag) =	ssettag $0x0;
	lr =	simm.s32 $0x1  }
0x2: {  	[smem:$0x3F9B] =	sst lr;
	_ =	strace $0xD0000000  }
0x3: {  	_ = 	snop  }
0x4: {  	_ = 	snop  }
0x5: {  	_ = 	snop  }
0x6: {  	_ = 	snop  }
0x7: {  	_ = 	snop  }
__scs_overlays_trampoline_lowered:
0x8: {  	[smem:$0x3FAA] =	sst s0  }
0x9: {  	[smem:$0x3FAB] =	sst s1  }
0xa: {  	[smem:$0x3FAC] =	sst s2  }
0xb: {  	[smem:$0x3FAD] =	sst s3  }
0xc: {  	[smem:$0x3FAE] =	sst s4  }
0xd: {  	[smem:$0x3FAF] =	sst s5  }
0xe: {  	[smem:$0x3FB0] =	sst s6  }
0xf: {  	[smem:$0x3FB1] =	sst s7  }
0x10: {  	[smem:$0x3FB2] =	sst s8  }
0x11: {  	[smem:$0x3FB3] =	sst s9;
	s0 =	simm.s32 @!p0 $0x0  }
0x12: {  	s1 =	sld [smem:$0x3F99];
	s0 =	simm.s32 @p0 $0x1  }
0x13: {  	[smem:$0x3FB4] =	sst s0;
	s0 =	simm.s32 @!p1 $0x0  }
0x14: {  	s2 =	sld [smem:$0x3F98];
	s0 =	simm.s32 @p1 $0x1  }
0x15: {  	[smem:$0x3FB5] =	sst s0;
	s0 =	simm.s32 @!p2 $0x0  }
0x16: {  	s3 =	sld [smem:$0x3FDB];
	s0 =	simm.s32 @p2 $0x1  }
0x17: {  	s4 =	simm.s32 $0x1BF5;
	[smem:$0x3FB7] =	sst s0  }
0x18: {  	s0 =	sld [smem:$0x3F9A];
	_ =	swait.ge [sflag:s4], $0x0  }
0x19: {  	s7 =	sld [smem:$0x3F9B]  }
0x1a: {  	s8 =	sadd.s32 $0xFFFFE003, lr  }
0x1b: {  	s9 =	sadd.s32 $0xFFFFFEF7, lr;
	s5 =	simm.s32 $0xFFFFFFFF;
	p2 =	slt.u32 s8, $0xFFFFF086  }
0x1c: {  	p1 =	slt.u32 s9, $0xF7A;
	s5 =	simm.s32 @!p2 $0x0  }
0x1d: {  	s5 =	simm.s32 @p1 $0x1;
	p0 =	seq.s32 s7, s2  }
0x1e: {  	s7 =	smul.u32 @!p0 $0xF7A, s2;
	p2 =	seq.s32 @!p0 s5, $0x0  }
0x1f: {  	s9 =	smul.u32 $0xF7A, s1;
	s8 =	simm.s32 @!p0 $0x1BF5;
	p2 =	por !p2, p0  }
0x20: {  	[sflag:s8] =	ssyncset.s32 @!p0 $0xFFFFF086;
	s6 =	sadd.s32 @!p0 s3, s7;
	s7 =	simm.s32 @!p0 $0x108  }
0x21: {  	s3 =	sadd.s32 s3, s9;
	s6 =	sadd.s32 @!p0 $0x88, s6;
	s7 =	simm.s32 @p2 $0x1082  }
0x22: {  	[simem:s7], [sflag:s8] =	dma.local @!p0 [hbm:s6], $0xF7A  }
0x23: {  	s9 =	sor.u32 $0xD0000000, s2;
	s6 =	simm.s32 $0x108;
	_ =	swait.ge @!p0 [sflag:s8], $0x0  }
0x24: {  	s3 =	sadd.s32 $0x88, s3;
	s6 =	simm.s32 @!p1 $0x1082;
	[sflag:s4] =	ssyncset.s32 $0xFFFFF086  }
0x25: {  	[simem:s6], [sflag:s4] =	dma.local [hbm:s3], $0xF7A  }
0x26: {  	[smem:$0x3F9B] =	sst s1;
	(tag) =	ssettag s2;
	_ =	strace s9  }
0x27: {  	s1 =	sld [smem:$0x3FAB]  }
0x28: {  	s2 =	sld [smem:$0x3FAC]  }
0x29: {  	s4 =	sld [smem:$0x3FAE]  }
0x2a: {  	p0 =	seq.s32 s5, $0x0;
	s5 =	sld [smem:$0x3FAF]  }
0x2b: {  	s6 =	sld [smem:$0x3FB0]  }
0x2c: {  	s7 =	sld [smem:$0x3FB1]  }
0x2d: {  	s3 =	simm.s32 $0x108;
	s8 =	sld [smem:$0x3FB2]  }
0x2e: {  	s3 =	simm.s32 @!p0 $0x1082;
	s9 =	sld [smem:$0x3FB3]  }
0x2f: {  	lr =	sadd.s32 s0, s3;
	s0 =	sld [smem:$0x3FAA]  }
0x30: {  	s3 =	sld [smem:$0x3FAD]  }
0x31: {  	[smem:$0x3FB6] =	sst s10  }
0x32: {  	s10 =	sld [smem:$0x3FB4];
	_ =	sdelay $0x3  }
0x33: {  	p0 =	seq.s32 s10, $0x1;
	s10 =	sld [smem:$0x3FB6];
	_ =	sdelay $0x3  }
0x34: {  	[smem:$0x3FB6] =	sst s10  }
0x35: {  	s10 =	sld [smem:$0x3FB5];
	_ =	sdelay $0x3  }
0x36: {  	p1 =	seq.s32 s10, $0x1;
	s10 =	sld [smem:$0x3FB6];
	_ =	sdelay $0x3  }
0x37: {  	[smem:$0x3FB6] =	sst s10  }
0x38: {  	s10 =	sld [smem:$0x3FB7]  }
0x39: {  	_ = 	snop;
	(pc) =	sbr.ind lr, $3  }
0x3a: {  	_ = 	snop  }
0x3b: {  	_ = 	snop  }
0x3c: {  	p2 =	seq.s32 s10, $0x1;
	s10 =	sld [smem:$0x3FB6]  }
0x3d: {  	_ =	shalt  }
0x3e: {  	_ =	shalt  }
0x3f: {  	_ =	shalt  }
0x40: {  	_ =	shalt  }
0x41: {  	_ =	shalt  }
0x42: {  	_ =	shalt  }
0x43: {  	_ =	shalt  }
0x44: {  	_ =	shalt  }
0x45: {  	_ =	shalt  }
0x46: {  	_ =	shalt  }
0x47: {  	_ =	shalt  }
0x48: {  	_ =	shalt  }
0x49: {  	_ =	shalt  }
0x4a: {  	_ =	shalt  }
0x4b: {  	_ =	shalt  }
0x4c: {  	_ =	shalt  }
0x4d: {  	_ =	shalt  }
0x4e: {  	_ =	shalt  }
0x4f: {  	_ =	shalt  }
0x50: {  	_ =	shalt  }
0x51: {  	_ =	shalt  }
0x52: {  	_ =	shalt  }
0x53: {  	_ =	shalt  }
0x54: {  	_ =	shalt  }
0x55: {  	_ =	shalt  }
0x56: {  	_ =	shalt  }
0x57: {  	_ =	shalt  }
0x58: {  	_ =	shalt  }
0x59: {  	_ =	shalt  }
0x5a: {  	_ =	shalt  }
0x5b: {  	_ =	shalt  }
0x5c: {  	_ =	shalt  }
0x5d: {  	_ =	shalt  }
0x5e: {  	_ =	shalt  }
0x5f: {  	_ =	shalt  }
0x60: {  	_ =	shalt  }
0x61: {  	_ =	shalt  }
0x62: {  	_ =	shalt  }
0x63: {  	_ =	shalt  }
0x64: {  	_ =	shalt  }
0x65: {  	_ =	shalt  }
0x66: {  	_ =	shalt  }
0x67: {  	_ =	shalt  }
0x68: {  	_ =	shalt  }
0x69: {  	_ =	shalt  }
0x6a: {  	_ =	shalt  }
0x6b: {  	_ =	shalt  }
0x6c: {  	_ =	shalt  }
0x6d: {  	_ =	shalt  }
0x6e: {  	_ =	shalt  }
0x6f: {  	_ =	shalt  }
0x70: {  	_ =	shalt  }
0x71: {  	_ =	shalt  }
0x72: {  	_ =	shalt  }
0x73: {  	_ =	shalt  }
0x74: {  	_ =	shalt  }
0x75: {  	_ =	shalt  }
0x76: {  	_ =	shalt  }
0x77: {  	_ =	shalt  }
0x78: {  	_ =	shalt  }
0x79: {  	_ =	shalt  }
0x7a: {  	_ =	shalt  }
0x7b: {  	_ =	shalt  }
0x7c: {  	_ =	shalt  }
0x7d: {  	_ =	shalt  }
0x7e: {  	_ =	shalt  }
0x7f: {  	_ =	shalt  }
0x80: {  	_ =	shalt  }
0x81: {  	_ =	shalt  }
0x82: {  	_ =	shalt  }
0x83: {  	_ =	shalt  }
0x84: {  	_ =	shalt  }
0x85: {  	_ =	shalt  }
0x86: {  	_ =	shalt  }
0x87: {  	_ =	shalt  }
.Lfunc_end0:
.L_simem_size_0:
called_computation_lowered:
.L_overlay_start_0:
0x88: {  	s2 =	sld [smem:$0x3FD9]  }
0x89: {  	s3 =	sld [smem:$0x3FFE];
	_ =	sdelay $0x1  }
0x8a: {  	s1 =	srdreg.scid  }
0x8b: {  	s0 =	sand.u32 $0x1, s1  }
0x8c: {  	s17 =	sshll.u32 s0, $0xA;
	s2 =	sadd.s32 s3, s2  }
0x8d: {  	s2 =	sadd.s32 s2, s17  }
0x8e: {  	[smem:$0x3FC2] =	sst s2  }
0x8f: {  	_ = 	snop  }
0x90: {  	s2 =	sld [smem:$0x3FD0];
	(tm) =	ssettm $0x1  }
0x91: {  	s18 =	sld [smem:$0x3FFB];
	_ =	sdelay $0x3  }
0x92: {  	_ =	strace s18  }
0x93: {  	s3 =	sld [smem:$0x3FFC];
	_ =	sdelay $0x3  }
0x94: {  	_ =	strace s3  }
0x95: {  	s3 =	sld [smem:$0x3FFD];
	_ =	sdelay $0x3  }
0x96: {  	_ =	strace s3  }
0x97: {  	_ =	strace $0x8FFFFFFF  }
0x98: {  	s19 =	sld [smem:$0x3FDB];
	_ =	sdelay $0x1  }
0x99: {  	s4 =	simm.s32 $_scs_section_size  }
0x9a: {  	s5 =	simm.s32 $_size__tile_overlayer_lowered;
	s6 =	simm.s32 $_tile_overlayer_lowered  }
0x9b: {  	s22 =	simm.s32 $0x1BFF;
	s21 =	sshll.u32 s6, $0x1;
	s3 =	sadd.s32 s4, s19  }
0x9c: {  	s7 =	simm.s32 $0x0;
	s20 =	sshll.u32 s5, $0x1;
	s5 =	sadd.s32 s21, s3  }
0x9d: {  	[timem:s7], [sflag:s22] =	dma.local [hbm:s5], s20  }
0x9e: {  	_ =	swait.ge [sflag:s22], s20  }
0x9f: {  	s4 =	ssub.s32 $0x0, s20;
	[sflag:s22] =	ssyncset.done $0x0  }
0xa0: {  	[sflag:s22] =	ssyncadd.s32 s4;
	_ =	sdelay $0x1  }
0xa1: {  	s23 =	simm.s32 $0x1B8B  }
0xa2: {  	_ =	swait.ge [sflag:s23], $0x1  }
0xa3: {  	[sflag:s23] =	ssyncset.done $0x0  }
0xa4: {  	s25 =	simm.s32 $0x1B8E;
	s24 =	sld [smem:$0x3FFE];
	[sflag:s23] =	ssyncadd.s32 $0xFFFFFFFF  }
0xa5: {  	s26 =	simm.s32 $execute0_lowered;
	[smem:$0x3FD2] =	sst s25  }
0xa6: {  	s5 =	sshll.u32 s26, $0x1;
	_ =	strace $0x80000046;
	[dreg:$0x1] =	wrdreg $0xFFFFFFFF  }
0xa7: {  	s28 =	simm.s32 $_size_execute0_lowered;
	s3 =	sadd.s32 s3, s5;
	[dreg:$0x0] =	wrdreg $0x0  }
0xa8: {  	s5 =	sshll.u32 s28, $0x1;
	[dreg:$0x2] =	wrdreg s3  }
0xa9: {  	[dreg:$0x3] =	wrdreg s5  }
0xaa: {  	[dreg:$0x4] =	wrdreg $0xC0  }
0xab: {  	_ =	task [dreg:s7], $0x5FFFF  }
0xac: {  	[dreg:$0x1] =	wrdreg $0xFFFFFFFF  }
0xad: {  	[dreg:$0x0] =	wrdreg $0x60  }
0xae: {  	[dreg:$0x2] =	wrdreg s2  }
0xaf: {  	[dreg:$0x3] =	wrdreg s24  }
0xb0: {  	[dreg:$0x4] =	wrdreg $0x0  }
0xb1: {  	[dreg:$0x5] =	wrdreg $0x9  }
0xb2: {  	_ =	task.clear_ibuf [dreg:s7], $0x6FFFF;
	_ =	strace $0x90000046  }
0xb3: {  	s29 =	simm.s32 $0x9;
	_ =	strace $0x80000048  }
0xb4: {  	_ =	swait.ge [sflag:s29], $0x1  }
0xb5: {  	[sflag:s29] =	ssyncadd.s32 $0xFFFFFFFF  }
0xb6: {  	_ =	strace $0x90000048  }
0xb7: {  	_ =	sfence  }
0xb8: {  	s30 =	sld [smem:$0x0];
	_ =	sdelay $0x2  }
0xb9: {  	s31 =	sshll.u32 s1, $0xD;
	s1 =	sshrl.u32 s1, $0x2  }
0xba: {  	s3 =	sand.u32 $0x4000, s31;
	s1 =	sadd.s32 s1, s30  }
0xbb: {  	s0 =	sor.u32 s3, s0;
	s1 =	sshll.u32 s1, $0x11  }
0xbc: {  	s0 =	sor.u32 s1, s0  }
0xbd: {  	s0 =	sadd.s32 $0x8F2B, s0  }
0xbe: {  	[sflag:s0] =	ssyncadd.remote.s32 $0x1  }
0xbf: {  	_ =	sfence.sel $0xFFFF  }
0xc0: {  	[dreg:$0x0] =	wrdreg $0xFFFFFFFF;
	(pc) =	sbr.abs _section_cstart, $3  }
0xc1: {  	[dreg:$0x1] =	wrdreg $0xFFFFFFFF  }
0xc2: {  	_ =	task.clear_ibuf [dreg:s7], $0x2FFFF;
	_ =	strace $0x9FFFFFFF  }
0xc3: {  	(tm) =	ssettm $0x7FFFFFFF  }
tec
execute0_lowered:
.L_overlay_start_1:
0x0: {  	(tag) =	ssettag $0x1  }
0x1: {  	s7 =	rddreg [dreg:$0x0]  }
0x2: {  	s5 =	rddreg [dreg:$0x1]  }
0x3: {  	s2 =	rddreg [dreg:$0x2]  }
0x4: {  	s0 =	rddreg [dreg:$0x3];
	s1 =	stileid.u32  }
0x5: {  	s4 =	srdreg.scid;
	s3 =	simm.s32 $0x0;
	s14 =	simm.s32 $0x50  }
0x6: {  	s15 =	simm.s32 $0x0;
	s6 =	smul.u32 $0x2800, s1;
	s8 =	sand.u32 $0x1, s4  }
0x7: {  	[smem:$0x7FF] =	sst s3;
	s4 =	sadd.s32 $0x6C00, s5;
	s13 =	smul.u32 $0x4E20, s1  }
0x8: {  	s31 =	sshll.u32 s1, $0x6;
	s9 =	smul.u32 $0x28000, s8;
	_ =	strace $0x80000047  }
0x9: {  	s11 =	ssub.s32 $0x2, s8;
	s8 =	smul.u32 $0x4E200, s8;
	s10 =	sshrl.u32 s6, $0x3  }
0xa: {  	s12 =	sshrl.u32 s11, $0x1;
	s30 =	sadd.s32 s6, s2;
	s9 =	sadd.s32 s6, s9  }
0xb: {  	s10 =	sadd.s32 s10, s5;
	s11 =	ssub.s32 s11, s12;
	s8 =	sadd.s32 s13, s8  }
0xc: {  	s6 =	sor.u32 $0x1C01, s31;
	s12 =	simm.s32 $0x2800;
	s9 =	sshrl.u32 s9, $0x3  }
0xd: {  	s13 =	simm.s32 $0x7620;
	s8 =	sshrl.u32 s8, $0x3;
	s9 =	sadd.s32 s9, s5  }
0xe: {  	s5 =	sadd.s32 $0x1C00, s10;
	s7 =	sadd.s32 s7, s8;
	s10 =	sshrl.u32 s30, $0x3  }
0xf: {  	s8 =	sadd.s32 $0x6E00, s9;
	s9 =	smax.u32 s11, $0x1;
	s11 =	simm.s32 $0x1  }
.LBB2_1:
0x10: {  	[spmem:s10], [sflag:s6] =	dma.local [hbm:s5], $0x500  }
0x11: {  	_ =	swait.ge [sflag:s11], $0x500  }
0x12: {  	[sflag:s11] =	ssyncset.done $0x0  }
0x13: {  	[sflag:s11] =	ssyncadd.s32 $0xFFFFFB00  }
0x14: {  	[tilespmem:s12], [sflag:$0x1] =	stream.linear.gather [hbm4b:s7+s3], $0x4E20, $0x38;
	[tilespmem:$0x7B20] =	vst v63  }
0x15: {  	_ =	swait.ge [sflag:s11], $0x4E20  }
0x16: {  	[sflag:s11] =	ssyncset.done $0x0  }
0x17: {  	[sflag:s11] =	ssyncadd.s32 $0xFFFFB1E0  }
0x18: {  	[tilespmem:s13], [sflag:$0x1] =	stream.linear.gather [hbm4b:s4+s3], $0x500, $0x38;
	[tilespmem:$0x7B20] =	vst v63  }
0x19: {  	_ =	swait.ge [sflag:s11], $0x500  }
0x1a: {  	[sflag:s11] =	ssyncset.done $0x0  }
0x1b: {  	[sflag:s11] =	ssyncadd.s32 $0xFFFFFB00  }
0x1c: {  	s16 =	simm.s32 $0x2800;
	[bflag:$0x0] =	sbarrier.arrive $0xFFFF  }
0x1d: {  	[spmem:s2] =	stream.indirect.scatter.add.f32 [tilespmem:s13], [sflag:$0x1], $0x10, s16, s14, $0xb8;
	[tilespmem:$0x7B20] =	vst v63  }
0x1e: {  	s16 =	simm.s32 $0x140;
	_ =	swait.ge [sflag:s11], $0x500  }
.LBB2_2:
0x1f: {  	s17 =	sshra.s32 s16, $0x2;
	[sflag:s11] =	ssyncset.done $0x0;
	p0 =	sne.s32 s16, $0x13740  }
.Ltmp0:
0x20: {  	s17 =	sadd.s32 $0x2800, s17;
	[sflag:s11] =	ssyncadd.s32 $0xFFFFFB00;
	(pc) =	sbr.rel @p0 .LBB2_2-.Ltmp0, $3  }
0x21: {  	[spmem:s2] =	stream.indirect.scatter.add.f32 [tilespmem:s13], [sflag:$0x1], $0x10, s17, s14, $0xb8;
	[tilespmem:$0x7B20] =	vst v63  }
0x22: {  	s16 =	sadd.s32 $0x140, s16;
	_ =	sdelay $0x1  }
0x23: {  	_ =	swait.ge [sflag:s11], $0x500  }
0x24: {  	[sflag:s11] =	ssyncset.done $0x0;
	s15 =	sadd.s32 $0x1, s15  }
0x25: {  	[sflag:s11] =	ssyncadd.s32 $0xFFFFFB00;
	p0 =	sne.s32 s15, s9  }
.Ltmp1:
0x26: {  	[bflag:$0x0] =	sbarrier.arrive $0xFFFF;
	(pc) =	sbr.rel @p0 .LBB2_1-.Ltmp1, $4  }
0x27: {  	[hbm:s8], [sflag:s6] =	dma.local [spmem:s10], $0x500  }
0x28: {  	_ =	swait.ge [sflag:s11], $0x500  }
0x29: {  	[sflag:s11] =	ssyncset.done $0x0  }
0x2a: {  	[sflag:s11] =	ssyncadd.s32 $0xFFFFFB00  }
0x2b: {  	_ =	sfence.sel $0x180000  }
0x2c: {  	[bflag:$0x0] =	sbarrier.arrive $0xFFFF  }
0x2d: {  	p0 =	sne.s32 s1, $0x0;
	_ =	strace $0x90000047  }
0x2e: {  	s0 =	sadd.s32 @!p0 $0x100000, s0;
	[bflag:$0x2] =	sbarrier.arrive $0xFFFF  }
0x2f: {  	[sflag:s0] =	ssyncadd.tile.s32 @!p0 $0x1;
	_ =	shalt  }
.Lfunc_end2:
_tile_overlayer_lowered:
.L_overlay_start_2:
0x30: {  	(tag) =	ssettag $0x2  }
0x31: {  	s0 =	rddreg [dreg:$0x0];
	s2 =	stileid.u32  }
0x32: {  	s1 =	rddreg [dreg:$0x1];
	p0 =	sne.s32 s2, $0x0  }
0x33: {  	s3 =	rddreg [dreg:$0x2];
	[bflag:$0x3] =	sbarrier.arrive $0xFFFF;
	s2 =	simm.s32 @!p0 $0x1C01  }
0x34: {  	[timem:s3], [sflag:s2] =	dma.local @!p0 [hbm:s0], s1  }
0x35: {  	s0 =	simm.s32 @!p0 $0x1  }
0x36: {  	_ =	swait.ge @!p0 [sflag:s0], s1  }
0x37: {  	s1 =	ssub.s32 @!p0 $0x0, s1;
	[sflag:s0] =	ssyncset.done @!p0 $0x0  }
0x38: {  	[sflag:s0] =	ssyncadd.s32 @!p0 s1  }
0x39: {  	[bflag:$0x3] =	sbarrier.arrive $0xFFFF  }
0x3a: {  	_ =	shalt  }

</sc_bundles>
